<compile_context>
chip_gen: v7x
topology: tpu7x:2x2x1
jax: 0.10.2.dev20260603
libtpu: 0.0.44.dev20260713+nightly
codegen_flags: <defaults>
</compile_context>

<pallas_src>
import jax
import jax.numpy as jnp
from jax import lax
from jax.experimental import pallas as pl
from jax.experimental.pallas import tpu as pltpu
from jax.experimental.pallas import tpu_sc as plsc

N = 10000
E = 320000
D = 128
EPS = 1e-5

NC = 2
NS = 16
NW = NC * NS
CH = 128
NCH = 79
EP = NW * NCH * CH
R = 10112
RPT = R // NS
DUMMY = N
CHC = 64
EPT0 = 16384
EPT1 = 3840


def _dega_body(src_hbm, dst_hbm, ones_hbm, z_hbm,
               degp_out, de_out,
               src_v, dst_v, ones_v, degtab):
    c = lax.axis_index("c")
    s = lax.axis_index("s")
    wid = s * NC + c
    base = pl.multiple_of(s * RPT, 8)
    pltpu.sync_copy(src_hbm.at[wid], src_v)
    pltpu.sync_copy(dst_hbm.at[wid], dst_v)
    pltpu.sync_copy(ones_hbm, ones_v)
    pltpu.sync_copy(z_hbm.at[pl.ds(base, RPT)], degtab.at[pl.ds(base, RPT)])

    def _row(j, _):
        def _lane(i, _):
            st = pl.multiple_of(i * 16, 16)
            sv = src_v[j, pl.ds(st, 16)]
            dv = dst_v[j, pl.ds(st, 16)]
            dst_v[j, pl.ds(st, 16)] = jnp.where(sv == dv, DUMMY, dv)
            return 0
        return lax.fori_loop(0, CH // 16, _lane, 0)
    lax.fori_loop(0, NCH, _row, 0)

    plsc.subcore_barrier()

    def _chunk(j, _):
        pltpu.sync_copy(ones_v, degtab.at[dst_v.at[j]], add=True)
        return 0
    lax.fori_loop(0, NCH, _chunk, 0)

    plsc.subcore_barrier()

    pltpu.sync_copy(dst_v, de_out.at[wid])
    pltpu.sync_copy(degtab.at[pl.ds(base, RPT)], degp_out.at[c, pl.ds(base, RPT)])


def _scatter_body(g_hbm, src_hbm, de_hbm, z_hbm,
                  outp,
                  sidx, didx, gbuf, acc, sem0, sem1):
    c = lax.axis_index("c")
    s = lax.axis_index("s")
    base = pl.multiple_of(s * RPT, 8)
    pltpu.sync_copy(z_hbm.at[pl.ds(base, RPT)], acc.at[pl.ds(base, RPT)])

    def _run(ept, ebase):
        n_pair = ept // (2 * CHC)
        pltpu.sync_copy(src_hbm.at[pl.ds(ebase, ept)], sidx.at[pl.ds(0, ept)])
        pltpu.sync_copy(de_hbm.at[pl.ds(ebase, ept)], didx.at[pl.ds(0, ept)])
        plsc.subcore_barrier()
        pltpu.async_copy(g_hbm.at[sidx.at[pl.ds(0, CHC)]], gbuf.at[pl.ds(0, CHC)], sem0)

        def _pair(j2, _):
            e0 = pl.multiple_of(j2 * 2 * CHC, 8)
            e1 = pl.multiple_of(e0 + CHC, 8)
            en = pl.multiple_of(jnp.minimum(e0 + 2 * CHC, ept - 2 * CHC), 8)
            pltpu.async_copy(g_hbm.at[sidx.at[pl.ds(e1, CHC)]], gbuf.at[pl.ds(CHC, CHC)], sem1)
            pltpu.make_async_copy(g_hbm.at[sidx.at[pl.ds(0, CHC)]], gbuf.at[pl.ds(0, CHC)], sem0).wait()
            pltpu.sync_copy(gbuf.at[pl.ds(0, CHC)], acc.at[didx.at[pl.ds(e0, CHC)]], add=True)
            pltpu.async_copy(g_hbm.at[sidx.at[pl.ds(en, CHC)]], gbuf.at[pl.ds(0, CHC)], sem0)
            pltpu.make_async_copy(g_hbm.at[sidx.at[pl.ds(0, CHC)]], gbuf.at[pl.ds(CHC, CHC)], sem1).wait()
            pltpu.sync_copy(gbuf.at[pl.ds(CHC, CHC)], acc.at[didx.at[pl.ds(e1, CHC)]], add=True)
            return 0
        lax.fori_loop(0, n_pair, _pair, 0)
        pltpu.make_async_copy(g_hbm.at[sidx.at[pl.ds(0, CHC)]], gbuf.at[pl.ds(0, CHC)], sem0).wait()
        plsc.subcore_barrier()

    @pl.when(c == 0)
    def _():
        _run(EPT0, s * EPT0)

    @pl.when(c == 1)
    def _():
        _run(EPT1, 16 * EPT0 + s * EPT1)

    pltpu.sync_copy(acc.at[pl.ds(base, RPT)], outp.at[c, pl.ds(base, RPT)])


def _dense_body(x_ref, w0_ref, w1_ref, d0_ref, d1_ref,
                g_ref, self_ref, dinv_ref):
    x = x_ref[...]
    h = lax.dot_general(x, w0_ref[...], (((1,), (1,)), ((), ())),
                        preferred_element_type=jnp.float32)
    mean = jnp.mean(h, axis=0, keepdims=True)
    var = jnp.mean((h - mean) ** 2, axis=0, keepdims=True)
    h = jnp.maximum((h - mean) * lax.rsqrt(var + EPS), 0.0)
    h = lax.dot_general(h, w1_ref[...], (((1,), (1,)), ((), ())),
                        preferred_element_type=jnp.float32)
    deg = 1.0 + d0_ref[0:N, 0:1] + d1_ref[0:N, 0:1]
    dinv = lax.rsqrt(deg)
    g_ref[...] = h * dinv
    self_ref[...] = h / deg
    dinv_ref[...] = dinv


def _combine_body(p0_ref, p1_ref, self_ref, dinv_ref, o_ref):
    acc = p0_ref[0:N, :] + p1_ref[0:N, :]
    o_ref[...] = acc * dinv_ref[...] + self_ref[...]


def kernel(x, edge_index, W0, W1):
    ei = edge_index.astype(jnp.int32)
    src = ei[0]
    dst = ei[1]
    pad = EP - E
    src = jnp.concatenate([src, jnp.zeros((pad,), jnp.int32)]).reshape(NW, NCH, CH)
    dst = jnp.concatenate([dst, jnp.zeros((pad,), jnp.int32)]).reshape(NW, NCH, CH)

    ones128 = jnp.ones((CH, D), jnp.float32)
    z128 = jnp.zeros((R, D), jnp.float32)

    mesh = plsc.VectorSubcoreMesh(core_axis_name="c", subcore_axis_name="s")

    dega = pl.kernel(
        _dega_body,
        out_type=(
            jax.ShapeDtypeStruct((NC, R, D), jnp.float32),
            jax.ShapeDtypeStruct((NW, NCH, CH), jnp.int32),
        ),
        mesh=mesh,
        scratch_types=[
            pltpu.VMEM((NCH, CH), jnp.int32),
            pltpu.VMEM((NCH, CH), jnp.int32),
            pltpu.VMEM((CH, D), jnp.float32),
            pltpu.VMEM_SHARED((R, D), jnp.float32),
        ],
    )
    degp, dst_eff = dega(src, dst, ones128, z128)

    g, self_term, dinv = pl.pallas_call(
        _dense_body,
        out_shape=(
            jax.ShapeDtypeStruct((N, D), jnp.float32),
            jax.ShapeDtypeStruct((N, D), jnp.float32),
            jax.ShapeDtypeStruct((N, 1), jnp.float32),
        ),
    )(x, W0, W1, degp[0], degp[1])

    scat = pl.kernel(
        _scatter_body,
        out_type=jax.ShapeDtypeStruct((NC, R, D), jnp.float32),
        mesh=mesh,
        scratch_types=[
            pltpu.VMEM((EPT0,), jnp.int32),
            pltpu.VMEM((EPT0,), jnp.int32),
            pltpu.VMEM((2 * CHC, D), jnp.float32),
            pltpu.VMEM_SHARED((R, D), jnp.float32),
            pltpu.SemaphoreType.DMA,
            pltpu.SemaphoreType.DMA,
        ],
    )
    outp = scat(g, src.reshape(EP), dst_eff.reshape(EP), z128)

    out = pl.pallas_call(
        _combine_body,
        out_shape=jax.ShapeDtypeStruct((N, D), jnp.float32),
    )(outp[0], outp[1], self_term, dinv)
    return out

# --- scband reference (transcript-rebuilt; emitter-appended) ---
"""Pipeline reference for scband-pmlp-gcnii-79353815761146 (READ-ONLY COPY).

The authoritative reference and input builder live on the scoring server;
editing this copy changes nothing except your own understanding.
"""

import jax, jax.numpy as jnp
import numpy as np

N_NODES = 10000
N_EDGES = 320000
D_IN = 128
D_HID = 128
D_OUT = 128
EPS = 1e-5


def setup_inputs(seed: int = 0) -> dict:
    key = jax.random.key(seed)
    k1, k2, k3, k4 = jax.random.split(key, 4)
    x = jax.random.normal(k1, (N_NODES, D_IN), dtype=jnp.float32)
    edge_index = jax.random.randint(k2, (2, N_EDGES), 0, N_NODES, dtype=jnp.int64)
    # xavier_uniform with gain=1.414 for [out, in] weight matrices (bias exists but is
    # never used in forward: the module computes x @ W.T only)
    def xavier(k, fan_out, fan_in):
        gain = 1.414
        a = gain * np.sqrt(6.0 / (fan_in + fan_out))
        return jax.random.uniform(k, (fan_out, fan_in), minval=-a, maxval=a, dtype=jnp.float32)
    W0 = xavier(k3, D_HID, D_IN)
    W1 = xavier(k4, D_OUT, D_HID)
    return {"x": x, "edge_index": edge_index, "W0": W0, "W1": W1}


def _batch_norm(h):
    # BatchNorm1d(affine=False, track_running_stats=False): always uses batch stats,
    # biased variance, eps=1e-5
    mean = jnp.mean(h, axis=0, keepdims=True)
    var = jnp.var(h, axis=0, keepdims=True)
    return (h - mean) / jnp.sqrt(var + EPS)


def _gcn_conv(h, src, dst):
    # remove self loops, then add self loops for every node; symmetric normalization;
    # out[dst] += w * h[src] (A^T @ h for A built with indices [src, dst])
    N = h.shape[0]
    mask = (src != dst).astype(h.dtype)
    deg = jnp.zeros((N,), dtype=h.dtype).at[dst].add(mask) + 1.0  # +1 from self loop
    dinv = deg ** -0.5  # deg >= 1, never inf
    w = dinv[src] * dinv[dst] * mask
    out = jnp.zeros_like(h).at[dst].add(w[:, None] * h[src])
    out = out + (1.0 / deg)[:, None] * h  # self-loop contribution with weight deg^-1
    return out


def reference(x, edge_index, W0, W1):
    src = edge_index[0]
    dst = edge_index[1]
    h = x @ W0.T  # bias intentionally omitted (matches torch forward)
    h = jax.nn.relu(_batch_norm(h))
    # dropout p=0.0 -> identity; num_layers=2 -> inner residual loop is empty
    h = h @ W1.T
    out = _gcn_conv(h, src, dst)
    return out

if __name__ == "__main__":
    import jax
    _d = setup_inputs()
    print(jax.jit(kernel)(*tuple(_d.values())))

</pallas_src>

<mosaic_0001>
#map = affine_map<(d0, d1) -> (0, 0)>
#map1 = affine_map<(d0, d1) -> (0)>
#map2 = affine_map<(d0, d1) -> (0, 0, 0)>
module attributes {stable_mosaic.version = 14 : i64} {
  func.func @_scatter_body(%arg0: i32, %arg1: i32, %arg2: memref<10000x128xf32, #tpu.memory_space<hbm>>, %arg3: memref<323584xi32, #tpu.memory_space<hbm>>, %arg4: memref<323584xi32, #tpu.memory_space<hbm>>, %arg5: memref<10112x128xf32, #tpu.memory_space<hbm>>, %arg6: memref<2x10112x128xf32, #tpu.memory_space<hbm>>, %arg7: memref<16384xi32, #tpu.memory_space<vmem>>, %arg8: memref<16384xi32, #tpu.memory_space<vmem>>, %arg9: memref<128x128xf32, #tpu.memory_space<vmem>>, %arg10: memref<10112x128xf32, #tpu.memory_space<vmem_shared>>, %arg11: memref<!tpu.dma_semaphore, #tpu.memory_space<semaphore_mem>>, %arg12: memref<!tpu.dma_semaphore, #tpu.memory_space<semaphore_mem>>) attributes {dimension_semantics = [#tpu.dimension_semantics<core_parallel>, #tpu.dimension_semantics<subcore_parallel>], iteration_bounds = array<i64: 2, 16>, scalar_prefetch = 0 : i64, scratch_operands = 6 : i64, tpu.core_type = #tpu.core_type<sc_vector_subcore>, window_params = [{transform_indices = #map}, {transform_indices = #map1}, {transform_indices = #map1}, {transform_indices = #map}, {transform_indices = #map2}]} {
    %mul3A = arith.constant 632 : i32
    %mul3A_0 = arith.muli %arg1, %mul3A : i32
    %multiple_of3A = tpu.assume_multiple %mul3A_0, 8 : i32
    "tpu.region"() ({
      %run_scoped3A = tpu.sem_alloc : memref<!tpu.dma_semaphore, #tpu.memory_space<semaphore_mem>>
      %dma_start3A = arith.constant 0 : i32
      %dma_start3A_8 = tpu.memref_slice %arg10[%multiple_of3A, %dma_start3A] : memref<10112x128xf32, #tpu.memory_space<vmem_shared>> -> memref<632x128xf32, #tpu.memory_space<vmem_shared>>
      %dma_start3A_9 = arith.constant 0 : i32
      %dma_start3A_10 = tpu.memref_slice %arg5[%multiple_of3A, %dma_start3A_9] : memref<10112x128xf32, #tpu.memory_space<hbm>> -> memref<632x128xf32, #tpu.memory_space<hbm>>
      tpu.enqueue_dma source(%dma_start3A_10 : memref<632x128xf32, #tpu.memory_space<hbm>>) target(%dma_start3A_8 : memref<632x128xf32, #tpu.memory_space<vmem_shared>>) target_semaphore(%run_scoped3A : memref<!tpu.dma_semaphore, #tpu.memory_space<semaphore_mem>>)
      %dma_wait3A = arith.constant 0 : i32
      %dma_wait3A_11 = tpu.memref_slice %arg10[%multiple_of3A, %dma_wait3A] : memref<10112x128xf32, #tpu.memory_space<vmem_shared>> -> memref<632x128xf32, #tpu.memory_space<vmem_shared>>
      %dma_wait3A_12 = arith.constant 0 : i32
      %dma_wait3A_13 = tpu.memref_slice %arg5[%multiple_of3A, %dma_wait3A_12] : memref<10112x128xf32, #tpu.memory_space<hbm>> -> memref<632x128xf32, #tpu.memory_space<hbm>>
      tpu.wait_dma2 semaphore(%run_scoped3A : memref<!tpu.dma_semaphore, #tpu.memory_space<semaphore_mem>>) src(%dma_wait3A_13 : memref<632x128xf32, #tpu.memory_space<hbm>>) dst(%dma_wait3A_11 : memref<632x128xf32, #tpu.memory_space<vmem_shared>>)
      tpu.yield
    }) : () -> ()
    %eq3A = arith.constant 0 : i32
    %eq3A_1 = arith.cmpi eq, %arg0, %eq3A : i32
    %convert_element_type3A = arith.extui %eq3A_1 : i1 to i32
    %cond3A = arith.constant 0 : i32
    %cond3A_2 = arith.cmpi ne, %convert_element_type3A, %cond3A : i32
    scf.if %cond3A_2 {
      %mul3A_8 = arith.constant 16384 : i32
      %mul3A_9 = arith.muli %arg1, %mul3A_8 : i32
      "tpu.region"() ({
        %run_scoped3A = tpu.sem_alloc : memref<!tpu.dma_semaphore, #tpu.memory_space<semaphore_mem>>
        %dma_start3A_31 = arith.constant 0 : i32
        %dma_start3A_32 = tpu.memref_slice %arg7[%dma_start3A_31] : memref<16384xi32, #tpu.memory_space<vmem>> -> memref<16384xi32, #tpu.memory_space<vmem>>
        %dma_start3A_33 = tpu.memref_slice %arg3[%mul3A_9] : memref<323584xi32, #tpu.memory_space<hbm>> -> memref<16384xi32, #tpu.memory_space<hbm>>
        %dma_start3A_34 = arith.constant 0 : i32
        %dma_start3A_35 = tpu.memref_slice %arg7[%dma_start3A_34] : memref<16384xi32, #tpu.memory_space<vmem>> -> memref<16384xi32, #tpu.memory_space<vmem>>
        %dma_start3A_36 = tpu.memref_slice %arg3[%mul3A_9] : memref<323584xi32, #tpu.memory_space<hbm>> -> memref<16384xi32, #tpu.memory_space<hbm>>
        tpu.enqueue_dma source(%dma_start3A_36 : memref<16384xi32, #tpu.memory_space<hbm>>) target(%dma_start3A_35 : memref<16384xi32, #tpu.memory_space<vmem>>) target_semaphore(%run_scoped3A : memref<!tpu.dma_semaphore, #tpu.memory_space<semaphore_mem>>)
        %dma_wait3A_37 = arith.constant 0 : i32
        %dma_wait3A_38 = tpu.memref_slice %arg7[%dma_wait3A_37] : memref<16384xi32, #tpu.memory_space<vmem>> -> memref<16384xi32, #tpu.memory_space<vmem>>
        %dma_wait3A_39 = tpu.memref_slice %arg3[%mul3A_9] : memref<323584xi32, #tpu.memory_space<hbm>> -> memref<16384xi32, #tpu.memory_space<hbm>>
        %dma_wait3A_40 = arith.constant 0 : i32
        %dma_wait3A_41 = tpu.memref_slice %arg7[%dma_wait3A_40] : memref<16384xi32, #tpu.memory_space<vmem>> -> memref<16384xi32, #tpu.memory_space<vmem>>
        %dma_wait3A_42 = tpu.memref_slice %arg3[%mul3A_9] : memref<323584xi32, #tpu.memory_space<hbm>> -> memref<16384xi32, #tpu.memory_space<hbm>>
        tpu.wait_dma2 semaphore(%run_scoped3A : memref<!tpu.dma_semaphore, #tpu.memory_space<semaphore_mem>>) src(%dma_wait3A_42 : memref<16384xi32, #tpu.memory_space<hbm>>) dst(%dma_wait3A_41 : memref<16384xi32, #tpu.memory_space<vmem>>)
        tpu.yield
      }) : () -> ()
      "tpu.region"() ({
        %run_scoped3A = tpu.sem_alloc : memref<!tpu.dma_semaphore, #tpu.memory_space<semaphore_mem>>
        %dma_start3A_31 = arith.constant 0 : i32
        %dma_start3A_32 = tpu.memref_slice %arg8[%dma_start3A_31] : memref<16384xi32, #tpu.memory_space<vmem>> -> memref<16384xi32, #tpu.memory_space<vmem>>
        %dma_start3A_33 = tpu.memref_slice %arg4[%mul3A_9] : memref<323584xi32, #tpu.memory_space<hbm>> -> memref<16384xi32, #tpu.memory_space<hbm>>
        %dma_start3A_34 = arith.constant 0 : i32
        %dma_start3A_35 = tpu.memref_slice %arg8[%dma_start3A_34] : memref<16384xi32, #tpu.memory_space<vmem>> -> memref<16384xi32, #tpu.memory_space<vmem>>
        %dma_start3A_36 = tpu.memref_slice %arg4[%mul3A_9] : memref<323584xi32, #tpu.memory_space<hbm>> -> memref<16384xi32, #tpu.memory_space<hbm>>
        tpu.enqueue_dma source(%dma_start3A_36 : memref<16384xi32, #tpu.memory_space<hbm>>) target(%dma_start3A_35 : memref<16384xi32, #tpu.memory_space<vmem>>) target_semaphore(%run_scoped3A : memref<!tpu.dma_semaphore, #tpu.memory_space<semaphore_mem>>)
        %dma_wait3A_37 = arith.constant 0 : i32
        %dma_wait3A_38 = tpu.memref_slice %arg8[%dma_wait3A_37] : memref<16384xi32, #tpu.memory_space<vmem>> -> memref<16384xi32, #tpu.memory_space<vmem>>
        %dma_wait3A_39 = tpu.memref_slice %arg4[%mul3A_9] : memref<323584xi32, #tpu.memory_space<hbm>> -> memref<16384xi32, #tpu.memory_space<hbm>>
        %dma_wait3A_40 = arith.constant 0 : i32
        %dma_wait3A_41 = tpu.memref_slice %arg8[%dma_wait3A_40] : memref<16384xi32, #tpu.memory_space<vmem>> -> memref<16384xi32, #tpu.memory_space<vmem>>
        %dma_wait3A_42 = tpu.memref_slice %arg4[%mul3A_9] : memref<323584xi32, #tpu.memory_space<hbm>> -> memref<16384xi32, #tpu.memory_space<hbm>>
        tpu.wait_dma2 semaphore(%run_scoped3A : memref<!tpu.dma_semaphore, #tpu.memory_space<semaphore_mem>>) src(%dma_wait3A_42 : memref<16384xi32, #tpu.memory_space<hbm>>) dst(%dma_wait3A_41 : memref<16384xi32, #tpu.memory_space<vmem>>)
        tpu.yield
      }) : () -> ()
      %barrier3A = arith.constant 0 : index
      tpu.barrier barrier_id(%barrier3A)
      %dma_start3A = arith.constant 0 : i32
      %dma_start3A_10 = arith.constant 0 : i32
      %dma_start3A_11 = tpu.memref_slice %arg9[%dma_start3A, %dma_start3A_10] : memref<128x128xf32, #tpu.memory_space<vmem>> -> memref<64x128xf32, #tpu.memory_space<vmem>>
      %dma_start3A_12 = arith.constant 0 : i32
      %dma_start3A_13 = tpu.memref_slice %arg7[%dma_start3A_12] : memref<16384xi32, #tpu.memory_space<vmem>> -> memref<64xi32, #tpu.memory_space<vmem>>
      %dma_start3A_14 = arith.constant 0 : i32
      %dma_start3A_15 = arith.constant 0 : i32
      %dma_start3A_16 = tpu.memref_slice %arg2[%dma_start3A_14, %dma_start3A_15] : memref<10000x128xf32, #tpu.memory_space<hbm>> -> memref<10000x128xf32, #tpu.memory_space<hbm>>
      tpu.enqueue_indirect_dma source(%dma_start3A_16 : memref<10000x128xf32, #tpu.memory_space<hbm>>) target(%dma_start3A_11 : memref<64x128xf32, #tpu.memory_space<vmem>>) offsets(%dma_start3A_13 : memref<64xi32, #tpu.memory_space<vmem>>) semaphore(%arg11 : memref<!tpu.dma_semaphore, #tpu.memory_space<semaphore_mem>>)
      %scan3A = arith.constant 0 : i32
      %scan3A_17 = arith.constant 0 : i32
      %scan3A_18 = arith.constant 128 : i32
      %scan3A_19 = arith.addi %scan3A_17, %scan3A_18 : i32
      %scan3A_20 = arith.constant 1 : i32
      %scan3A_21 = scf.for %scan3A_31 = %scan3A_17 to %scan3A_19 step %scan3A_20 iter_args(%scan3A_32 = %scan3A) -> (i32)  : i32 {
        %mul3A_33 = arith.constant 2 : i32
        %mul3A_34 = arith.muli %scan3A_31, %mul3A_33 : i32
        %mul3A_35 = arith.constant 64 : i32
        %mul3A_36 = arith.muli %mul3A_34, %mul3A_35 : i32
        %multiple_of3A_37 = tpu.assume_multiple %mul3A_36, 8 : i32
        %add3A = arith.constant 64 : i32
        %add3A_38 = arith.addi %multiple_of3A_37, %add3A : i32
        %multiple_of3A_39 = tpu.assume_multiple %add3A_38, 8 : i32
        %add3A_40 = arith.constant 128 : i32
        %add3A_41 = arith.addi %multiple_of3A_37, %add3A_40 : i32
        %min3A = arith.constant 16256 : i32
        %min3A_42 = arith.minsi %add3A_41, %min3A : i32
        %multiple_of3A_43 = tpu.assume_multiple %min3A_42, 8 : i32
        %dma_start3A_44 = arith.constant 64 : i32
        %dma_start3A_45 = arith.constant 0 : i32
        %dma_start3A_46 = tpu.memref_slice %arg9[%dma_start3A_44, %dma_start3A_45] : memref<128x128xf32, #tpu.memory_space<vmem>> -> memref<64x128xf32, #tpu.memory_space<vmem>>
        %dma_start3A_47 = tpu.memref_slice %arg7[%multiple_of3A_39] : memref<16384xi32, #tpu.memory_space<vmem>> -> memref<64xi32, #tpu.memory_space<vmem>>
        %dma_start3A_48 = arith.constant 0 : i32
        %dma_start3A_49 = arith.constant 0 : i32
        %dma_start3A_50 = tpu.memref_slice %arg2[%dma_start3A_48, %dma_start3A_49] : memref<10000x128xf32, #tpu.memory_space<hbm>> -> memref<10000x128xf32, #tpu.memory_space<hbm>>
        tpu.enqueue_indirect_dma source(%dma_start3A_50 : memref<10000x128xf32, #tpu.memory_space<hbm>>) target(%dma_start3A_46 : memref<64x128xf32, #tpu.memory_space<vmem>>) offsets(%dma_start3A_47 : memref<64xi32, #tpu.memory_space<vmem>>) semaphore(%arg12 : memref<!tpu.dma_semaphore, #tpu.memory_space<semaphore_mem>>)
        %dma_wait3A_51 = arith.constant 0 : i32
        %dma_wait3A_52 = arith.constant 0 : i32
        %dma_wait3A_53 = tpu.memref_slice %arg9[%dma_wait3A_51, %dma_wait3A_52] : memref<128x128xf32, #tpu.memory_space<vmem>> -> memref<64x128xf32, #tpu.memory_space<vmem>>
        %dma_wait3A_54 = arith.constant 0 : i32
        %dma_wait3A_55 = tpu.memref_slice %arg7[%dma_wait3A_54] : memref<16384xi32, #tpu.memory_space<vmem>> -> memref<64xi32, #tpu.memory_space<vmem>>
        %dma_wait3A_56 = arith.constant 0 : i32
        %dma_wait3A_57 = arith.constant 0 : i32
        %dma_wait3A_58 = tpu.memref_slice %arg2[%dma_wait3A_56, %dma_wait3A_57] : memref<10000x128xf32, #tpu.memory_space<hbm>> -> memref<10000x128xf32, #tpu.memory_space<hbm>>
        tpu.wait_indirect_dma semaphore(%arg11 : memref<!tpu.dma_semaphore, #tpu.memory_space<semaphore_mem>>) src(%dma_wait3A_58 : memref<10000x128xf32, #tpu.memory_space<hbm>>) dst(%dma_wait3A_53 : memref<64x128xf32, #tpu.memory_space<vmem>>)
        "tpu.region"() ({
          %run_scoped3A = tpu.sem_alloc : memref<!tpu.dma_semaphore, #tpu.memory_space<semaphore_mem>>
          %dma_start3A_75 = arith.constant 0 : i32
          %dma_start3A_76 = arith.constant 0 : i32
          %dma_start3A_77 = tpu.memref_slice %arg9[%dma_start3A_75, %dma_start3A_76] : memref<128x128xf32, #tpu.memory_space<vmem>> -> memref<64x128xf32, #tpu.memory_space<vmem>>
          %dma_start3A_78 = tpu.memref_slice %arg8[%multiple_of3A_37] : memref<16384xi32, #tpu.memory_space<vmem>> -> memref<64xi32, #tpu.memory_space<vmem>>
          %dma_start3A_79 = arith.constant 0 : i32
          %dma_start3A_80 = arith.constant 0 : i32
          %dma_start3A_81 = tpu.memref_slice %arg10[%dma_start3A_79, %dma_start3A_80] : memref<10112x128xf32, #tpu.memory_space<vmem_shared>> -> memref<10112x128xf32, #tpu.memory_space<vmem_shared>>
          tpu.enqueue_indirect_dma source(%dma_start3A_77 : memref<64x128xf32, #tpu.memory_space<vmem>>) target(%dma_start3A_81 : memref<10112x128xf32, #tpu.memory_space<vmem_shared>>) offsets(%dma_start3A_78 : memref<64xi32, #tpu.memory_space<vmem>>) semaphore(%run_scoped3A : memref<!tpu.dma_semaphore, #tpu.memory_space<semaphore_mem>>) {add = true}
          %dma_wait3A_82 = arith.constant 0 : i32
          %dma_wait3A_83 = arith.constant 0 : i32
          %dma_wait3A_84 = tpu.memref_slice %arg9[%dma_wait3A_82, %dma_wait3A_83] : memref<128x128xf32, #tpu.memory_space<vmem>> -> memref<64x128xf32, #tpu.memory_space<vmem>>
          %dma_wait3A_85 = tpu.memref_slice %arg8[%multiple_of3A_37] : memref<16384xi32, #tpu.memory_space<vmem>> -> memref<64xi32, #tpu.memory_space<vmem>>
          %dma_wait3A_86 = arith.constant 0 : i32
          %dma_wait3A_87 = arith.constant 0 : i32
          %dma_wait3A_88 = tpu.memref_slice %arg10[%dma_wait3A_86, %dma_wait3A_87] : memref<10112x128xf32, #tpu.memory_space<vmem_shared>> -> memref<10112x128xf32, #tpu.memory_space<vmem_shared>>
          tpu.wait_indirect_dma semaphore(%run_scoped3A : memref<!tpu.dma_semaphore, #tpu.memory_space<semaphore_mem>>) src(%dma_wait3A_84 : memref<64x128xf32, #tpu.memory_space<vmem>>) dst(%dma_wait3A_88 : memref<10112x128xf32, #tpu.memory_space<vmem_shared>>)
          tpu.yield
        }) : () -> ()
        %dma_start3A_59 = arith.constant 0 : i32
        %dma_start3A_60 = arith.constant 0 : i32
        %dma_start3A_61 = tpu.memref_slice %arg9[%dma_start3A_59, %dma_start3A_60] : memref<128x128xf32, #tpu.memory_space<vmem>> -> memref<64x128xf32, #tpu.memory_space<vmem>>
        %dma_start3A_62 = tpu.memref_slice %arg7[%multiple_of3A_43] : memref<16384xi32, #tpu.memory_space<vmem>> -> memref<64xi32, #tpu.memory_space<vmem>>
        %dma_start3A_63 = arith.constant 0 : i32
        %dma_start3A_64 = arith.constant 0 : i32
        %dma_start3A_65 = tpu.memref_slice %arg2[%dma_start3A_63, %dma_start3A_64] : memref<10000x128xf32, #tpu.memory_space<hbm>> -> memref<10000x128xf32, #tpu.memory_space<hbm>>
        tpu.enqueue_indirect_dma source(%dma_start3A_65 : memref<10000x128xf32, #tpu.memory_space<hbm>>) target(%dma_start3A_61 : memref<64x128xf32, #tpu.memory_space<vmem>>) offsets(%dma_start3A_62 : memref<64xi32, #tpu.memory_space<vmem>>) semaphore(%arg11 : memref<!tpu.dma_semaphore, #tpu.memory_space<semaphore_mem>>)
        %dma_wait3A_66 = arith.constant 64 : i32
        %dma_wait3A_67 = arith.constant 0 : i32
        %dma_wait3A_68 = tpu.memref_slice %arg9[%dma_wait3A_66, %dma_wait3A_67] : memref<128x128xf32, #tpu.memory_space<vmem>> -> memref<64x128xf32, #tpu.memory_space<vmem>>
        %dma_wait3A_69 = arith.constant 0 : i32
        %dma_wait3A_70 = tpu.memref_slice %arg7[%dma_wait3A_69] : memref<16384xi32, #tpu.memory_space<vmem>> -> memref<64xi32, #tpu.memory_space<vmem>>
        %dma_wait3A_71 = arith.constant 0 : i32
        %dma_wait3A_72 = arith.constant 0 : i32
        %dma_wait3A_73 = tpu.memref_slice %arg2[%dma_wait3A_71, %dma_wait3A_72] : memref<10000x128xf32, #tpu.memory_space<hbm>> -> memref<10000x128xf32, #tpu.memory_space<hbm>>
        tpu.wait_indirect_dma semaphore(%arg12 : memref<!tpu.dma_semaphore, #tpu.memory_space<semaphore_mem>>) src(%dma_wait3A_73 : memref<10000x128xf32, #tpu.memory_space<hbm>>) dst(%dma_wait3A_68 : memref<64x128xf32, #tpu.memory_space<vmem>>)
        "tpu.region"() ({
          %run_scoped3A = tpu.sem_alloc : memref<!tpu.dma_semaphore, #tpu.memory_space<semaphore_mem>>
          %dma_start3A_75 = arith.constant 64 : i32
          %dma_start3A_76 = arith.constant 0 : i32
          %dma_start3A_77 = tpu.memref_slice %arg9[%dma_start3A_75, %dma_start3A_76] : memref<128x128xf32, #tpu.memory_space<vmem>> -> memref<64x128xf32, #tpu.memory_space<vmem>>
          %dma_start3A_78 = tpu.memref_slice %arg8[%multiple_of3A_39] : memref<16384xi32, #tpu.memory_space<vmem>> -> memref<64xi32, #tpu.memory_space<vmem>>
          %dma_start3A_79 = arith.constant 0 : i32
          %dma_start3A_80 = arith.constant 0 : i32
          %dma_start3A_81 = tpu.memref_slice %arg10[%dma_start3A_79, %dma_start3A_80] : memref<10112x128xf32, #tpu.memory_space<vmem_shared>> -> memref<10112x128xf32, #tpu.memory_space<vmem_shared>>
          tpu.enqueue_indirect_dma source(%dma_start3A_77 : memref<64x128xf32, #tpu.memory_space<vmem>>) target(%dma_start3A_81 : memref<10112x128xf32, #tpu.memory_space<vmem_shared>>) offsets(%dma_start3A_78 : memref<64xi32, #tpu.memory_space<vmem>>) semaphore(%run_scoped3A : memref<!tpu.dma_semaphore, #tpu.memory_space<semaphore_mem>>) {add = true}
          %dma_wait3A_82 = arith.constant 64 : i32
          %dma_wait3A_83 = arith.constant 0 : i32
          %dma_wait3A_84 = tpu.memref_slice %arg9[%dma_wait3A_82, %dma_wait3A_83] : memref<128x128xf32, #tpu.memory_space<vmem>> -> memref<64x128xf32, #tpu.memory_space<vmem>>
          %dma_wait3A_85 = tpu.memref_slice %arg8[%multiple_of3A_39] : memref<16384xi32, #tpu.memory_space<vmem>> -> memref<64xi32, #tpu.memory_space<vmem>>
          %dma_wait3A_86 = arith.constant 0 : i32
          %dma_wait3A_87 = arith.constant 0 : i32
          %dma_wait3A_88 = tpu.memref_slice %arg10[%dma_wait3A_86, %dma_wait3A_87] : memref<10112x128xf32, #tpu.memory_space<vmem_shared>> -> memref<10112x128xf32, #tpu.memory_space<vmem_shared>>
          tpu.wait_indirect_dma semaphore(%run_scoped3A : memref<!tpu.dma_semaphore, #tpu.memory_space<semaphore_mem>>) src(%dma_wait3A_84 : memref<64x128xf32, #tpu.memory_space<vmem>>) dst(%dma_wait3A_88 : memref<10112x128xf32, #tpu.memory_space<vmem_shared>>)
          tpu.yield
        }) : () -> ()
        %scan3A_74 = arith.constant 0 : i32
        scf.yield %scan3A_74 : i32
      }
      %scan3A_22 = arith.constant 128 : i32
      %dma_wait3A = arith.constant 0 : i32
      %dma_wait3A_23 = arith.constant 0 : i32
      %dma_wait3A_24 = tpu.memref_slice %arg9[%dma_wait3A, %dma_wait3A_23] : memref<128x128xf32, #tpu.memory_space<vmem>> -> memref<64x128xf32, #tpu.memory_space<vmem>>
      %dma_wait3A_25 = arith.constant 0 : i32
      %dma_wait3A_26 = tpu.memref_slice %arg7[%dma_wait3A_25] : memref<16384xi32, #tpu.memory_space<vmem>> -> memref<64xi32, #tpu.memory_space<vmem>>
      %dma_wait3A_27 = arith.constant 0 : i32
      %dma_wait3A_28 = arith.constant 0 : i32
      %dma_wait3A_29 = tpu.memref_slice %arg2[%dma_wait3A_27, %dma_wait3A_28] : memref<10000x128xf32, #tpu.memory_space<hbm>> -> memref<10000x128xf32, #tpu.memory_space<hbm>>
      tpu.wait_indirect_dma semaphore(%arg11 : memref<!tpu.dma_semaphore, #tpu.memory_space<semaphore_mem>>) src(%dma_wait3A_29 : memref<10000x128xf32, #tpu.memory_space<hbm>>) dst(%dma_wait3A_24 : memref<64x128xf32, #tpu.memory_space<vmem>>)
      %barrier3A_30 = arith.constant 0 : index
      tpu.barrier barrier_id(%barrier3A_30)
    } else {
    }
    %eq3A_3 = arith.constant 1 : i32
    %eq3A_4 = arith.cmpi eq, %arg0, %eq3A_3 : i32
    %convert_element_type3A_5 = arith.extui %eq3A_4 : i1 to i32
    %cond3A_6 = arith.constant 0 : i32
    %cond3A_7 = arith.cmpi ne, %convert_element_type3A_5, %cond3A_6 : i32
    scf.if %cond3A_7 {
      %mul3A_8 = arith.constant 3840 : i32
      %mul3A_9 = arith.muli %arg1, %mul3A_8 : i32
      %add3A = arith.constant 262144 : i32
      %add3A_10 = arith.addi %add3A, %mul3A_9 : i32
      "tpu.region"() ({
        %run_scoped3A = tpu.sem_alloc : memref<!tpu.dma_semaphore, #tpu.memory_space<semaphore_mem>>
        %dma_start3A_32 = arith.constant 0 : i32
        %dma_start3A_33 = tpu.memref_slice %arg7[%dma_start3A_32] : memref<16384xi32, #tpu.memory_space<vmem>> -> memref<3840xi32, #tpu.memory_space<vmem>>
        %dma_start3A_34 = tpu.memref_slice %arg3[%add3A_10] : memref<323584xi32, #tpu.memory_space<hbm>> -> memref<3840xi32, #tpu.memory_space<hbm>>
        %dma_start3A_35 = arith.constant 0 : i32
        %dma_start3A_36 = tpu.memref_slice %arg7[%dma_start3A_35] : memref<16384xi32, #tpu.memory_space<vmem>> -> memref<3840xi32, #tpu.memory_space<vmem>>
        %dma_start3A_37 = tpu.memref_slice %arg3[%add3A_10] : memref<323584xi32, #tpu.memory_space<hbm>> -> memref<3840xi32, #tpu.memory_space<hbm>>
        tpu.enqueue_dma source(%dma_start3A_37 : memref<3840xi32, #tpu.memory_space<hbm>>) target(%dma_start3A_36 : memref<3840xi32, #tpu.memory_space<vmem>>) target_semaphore(%run_scoped3A : memref<!tpu.dma_semaphore, #tpu.memory_space<semaphore_mem>>)
        %dma_wait3A_38 = arith.constant 0 : i32
        %dma_wait3A_39 = tpu.memref_slice %arg7[%dma_wait3A_38] : memref<16384xi32, #tpu.memory_space<vmem>> -> memref<3840xi32, #tpu.memory_space<vmem>>
        %dma_wait3A_40 = tpu.memref_slice %arg3[%add3A_10] : memref<323584xi32, #tpu.memory_space<hbm>> -> memref<3840xi32, #tpu.memory_space<hbm>>
        %dma_wait3A_41 = arith.constant 0 : i32
        %dma_wait3A_42 = tpu.memref_slice %arg7[%dma_wait3A_41] : memref<16384xi32, #tpu.memory_space<vmem>> -> memref<3840xi32, #tpu.memory_space<vmem>>
        %dma_wait3A_43 = tpu.memref_slice %arg3[%add3A_10] : memref<323584xi32, #tpu.memory_space<hbm>> -> memref<3840xi32, #tpu.memory_space<hbm>>
        tpu.wait_dma2 semaphore(%run_scoped3A : memref<!tpu.dma_semaphore, #tpu.memory_space<semaphore_mem>>) src(%dma_wait3A_43 : memref<3840xi32, #tpu.memory_space<hbm>>) dst(%dma_wait3A_42 : memref<3840xi32, #tpu.memory_space<vmem>>)
        tpu.yield
      }) : () -> ()
      "tpu.region"() ({
        %run_scoped3A = tpu.sem_alloc : memref<!tpu.dma_semaphore, #tpu.memory_space<semaphore_mem>>
        %dma_start3A_32 = arith.constant 0 : i32
        %dma_start3A_33 = tpu.memref_slice %arg8[%dma_start3A_32] : memref<16384xi32, #tpu.memory_space<vmem>> -> memref<3840xi32, #tpu.memory_space<vmem>>
        %dma_start3A_34 = tpu.memref_slice %arg4[%add3A_10] : memref<323584xi32, #tpu.memory_space<hbm>> -> memref<3840xi32, #tpu.memory_space<hbm>>
        %dma_start3A_35 = arith.constant 0 : i32
        %dma_start3A_36 = tpu.memref_slice %arg8[%dma_start3A_35] : memref<16384xi32, #tpu.memory_space<vmem>> -> memref<3840xi32, #tpu.memory_space<vmem>>
        %dma_start3A_37 = tpu.memref_slice %arg4[%add3A_10] : memref<323584xi32, #tpu.memory_space<hbm>> -> memref<3840xi32, #tpu.memory_space<hbm>>
        tpu.enqueue_dma source(%dma_start3A_37 : memref<3840xi32, #tpu.memory_space<hbm>>) target(%dma_start3A_36 : memref<3840xi32, #tpu.memory_space<vmem>>) target_semaphore(%run_scoped3A : memref<!tpu.dma_semaphore, #tpu.memory_space<semaphore_mem>>)
        %dma_wait3A_38 = arith.constant 0 : i32
        %dma_wait3A_39 = tpu.memref_slice %arg8[%dma_wait3A_38] : memref<16384xi32, #tpu.memory_space<vmem>> -> memref<3840xi32, #tpu.memory_space<vmem>>
        %dma_wait3A_40 = tpu.memref_slice %arg4[%add3A_10] : memref<323584xi32, #tpu.memory_space<hbm>> -> memref<3840xi32, #tpu.memory_space<hbm>>
        %dma_wait3A_41 = arith.constant 0 : i32
        %dma_wait3A_42 = tpu.memref_slice %arg8[%dma_wait3A_41] : memref<16384xi32, #tpu.memory_space<vmem>> -> memref<3840xi32, #tpu.memory_space<vmem>>
        %dma_wait3A_43 = tpu.memref_slice %arg4[%add3A_10] : memref<323584xi32, #tpu.memory_space<hbm>> -> memref<3840xi32, #tpu.memory_space<hbm>>
        tpu.wait_dma2 semaphore(%run_scoped3A : memref<!tpu.dma_semaphore, #tpu.memory_space<semaphore_mem>>) src(%dma_wait3A_43 : memref<3840xi32, #tpu.memory_space<hbm>>) dst(%dma_wait3A_42 : memref<3840xi32, #tpu.memory_space<vmem>>)
        tpu.yield
      }) : () -> ()
      %barrier3A = arith.constant 0 : index
      tpu.barrier barrier_id(%barrier3A)
      %dma_start3A = arith.constant 0 : i32
      %dma_start3A_11 = arith.constant 0 : i32
      %dma_start3A_12 = tpu.memref_slice %arg9[%dma_start3A, %dma_start3A_11] : memref<128x128xf32, #tpu.memory_space<vmem>> -> memref<64x128xf32, #tpu.memory_space<vmem>>
      %dma_start3A_13 = arith.constant 0 : i32
      %dma_start3A_14 = tpu.memref_slice %arg7[%dma_start3A_13] : memref<16384xi32, #tpu.memory_space<vmem>> -> memref<64xi32, #tpu.memory_space<vmem>>
      %dma_start3A_15 = arith.constant 0 : i32
      %dma_start3A_16 = arith.constant 0 : i32
      %dma_start3A_17 = tpu.memref_slice %arg2[%dma_start3A_15, %dma_start3A_16] : memref<10000x128xf32, #tpu.memory_space<hbm>> -> memref<10000x128xf32, #tpu.memory_space<hbm>>
      tpu.enqueue_indirect_dma source(%dma_start3A_17 : memref<10000x128xf32, #tpu.memory_space<hbm>>) target(%dma_start3A_12 : memref<64x128xf32, #tpu.memory_space<vmem>>) offsets(%dma_start3A_14 : memref<64xi32, #tpu.memory_space<vmem>>) semaphore(%arg11 : memref<!tpu.dma_semaphore, #tpu.memory_space<semaphore_mem>>)
      %scan3A = arith.constant 0 : i32
      %scan3A_18 = arith.constant 0 : i32
      %scan3A_19 = arith.constant 30 : i32
      %scan3A_20 = arith.addi %scan3A_18, %scan3A_19 : i32
      %scan3A_21 = arith.constant 1 : i32
      %scan3A_22 = scf.for %scan3A_32 = %scan3A_18 to %scan3A_20 step %scan3A_21 iter_args(%scan3A_33 = %scan3A) -> (i32)  : i32 {
        %mul3A_34 = arith.constant 2 : i32
        %mul3A_35 = arith.muli %scan3A_32, %mul3A_34 : i32
        %mul3A_36 = arith.constant 64 : i32
        %mul3A_37 = arith.muli %mul3A_35, %mul3A_36 : i32
        %multiple_of3A_38 = tpu.assume_multiple %mul3A_37, 8 : i32
        %add3A_39 = arith.constant 64 : i32
        %add3A_40 = arith.addi %multiple_of3A_38, %add3A_39 : i32
        %multiple_of3A_41 = tpu.assume_multiple %add3A_40, 8 : i32
        %add3A_42 = arith.constant 128 : i32
        %add3A_43 = arith.addi %multiple_of3A_38, %add3A_42 : i32
        %min3A = arith.constant 3712 : i32
        %min3A_44 = arith.minsi %add3A_43, %min3A : i32
        %multiple_of3A_45 = tpu.assume_multiple %min3A_44, 8 : i32
        %dma_start3A_46 = arith.constant 64 : i32
        %dma_start3A_47 = arith.constant 0 : i32
        %dma_start3A_48 = tpu.memref_slice %arg9[%dma_start3A_46, %dma_start3A_47] : memref<128x128xf32, #tpu.memory_space<vmem>> -> memref<64x128xf32, #tpu.memory_space<vmem>>
        %dma_start3A_49 = tpu.memref_slice %arg7[%multiple_of3A_41] : memref<16384xi32, #tpu.memory_space<vmem>> -> memref<64xi32, #tpu.memory_space<vmem>>
        %dma_start3A_50 = arith.constant 0 : i32
        %dma_start3A_51 = arith.constant 0 : i32
        %dma_start3A_52 = tpu.memref_slice %arg2[%dma_start3A_50, %dma_start3A_51] : memref<10000x128xf32, #tpu.memory_space<hbm>> -> memref<10000x128xf32, #tpu.memory_space<hbm>>
        tpu.enqueue_indirect_dma source(%dma_start3A_52 : memref<10000x128xf32, #tpu.memory_space<hbm>>) target(%dma_start3A_48 : memref<64x128xf32, #tpu.memory_space<vmem>>) offsets(%dma_start3A_49 : memref<64xi32, #tpu.memory_space<vmem>>) semaphore(%arg12 : memref<!tpu.dma_semaphore, #tpu.memory_space<semaphore_mem>>)
        %dma_wait3A_53 = arith.constant 0 : i32
        %dma_wait3A_54 = arith.constant 0 : i32
        %dma_wait3A_55 = tpu.memref_slice %arg9[%dma_wait3A_53, %dma_wait3A_54] : memref<128x128xf32, #tpu.memory_space<vmem>> -> memref<64x128xf32, #tpu.memory_space<vmem>>
        %dma_wait3A_56 = arith.constant 0 : i32
        %dma_wait3A_57 = tpu.memref_slice %arg7[%dma_wait3A_56] : memref<16384xi32, #tpu.memory_space<vmem>> -> memref<64xi32, #tpu.memory_space<vmem>>
        %dma_wait3A_58 = arith.constant 0 : i32
        %dma_wait3A_59 = arith.constant 0 : i32
        %dma_wait3A_60 = tpu.memref_slice %arg2[%dma_wait3A_58, %dma_wait3A_59] : memref<10000x128xf32, #tpu.memory_space<hbm>> -> memref<10000x128xf32, #tpu.memory_space<hbm>>
        tpu.wait_indirect_dma semaphore(%arg11 : memref<!tpu.dma_semaphore, #tpu.memory_space<semaphore_mem>>) src(%dma_wait3A_60 : memref<10000x128xf32, #tpu.memory_space<hbm>>) dst(%dma_wait3A_55 : memref<64x128xf32, #tpu.memory_space<vmem>>)
        "tpu.region"() ({
          %run_scoped3A = tpu.sem_alloc : memref<!tpu.dma_semaphore, #tpu.memory_space<semaphore_mem>>
          %dma_start3A_77 = arith.constant 0 : i32
          %dma_start3A_78 = arith.constant 0 : i32
          %dma_start3A_79 = tpu.memref_slice %arg9[%dma_start3A_77, %dma_start3A_78] : memref<128x128xf32, #tpu.memory_space<vmem>> -> memref<64x128xf32, #tpu.memory_space<vmem>>
          %dma_start3A_80 = tpu.memref_slice %arg8[%multiple_of3A_38] : memref<16384xi32, #tpu.memory_space<vmem>> -> memref<64xi32, #tpu.memory_space<vmem>>
          %dma_start3A_81 = arith.constant 0 : i32
          %dma_start3A_82 = arith.constant 0 : i32
          %dma_start3A_83 = tpu.memref_slice %arg10[%dma_start3A_81, %dma_start3A_82] : memref<10112x128xf32, #tpu.memory_space<vmem_shared>> -> memref<10112x128xf32, #tpu.memory_space<vmem_shared>>
          tpu.enqueue_indirect_dma source(%dma_start3A_79 : memref<64x128xf32, #tpu.memory_space<vmem>>) target(%dma_start3A_83 : memref<10112x128xf32, #tpu.memory_space<vmem_shared>>) offsets(%dma_start3A_80 : memref<64xi32, #tpu.memory_space<vmem>>) semaphore(%run_scoped3A : memref<!tpu.dma_semaphore, #tpu.memory_space<semaphore_mem>>) {add = true}
          %dma_wait3A_84 = arith.constant 0 : i32
          %dma_wait3A_85 = arith.constant 0 : i32
          %dma_wait3A_86 = tpu.memref_slice %arg9[%dma_wait3A_84, %dma_wait3A_85] : memref<128x128xf32, #tpu.memory_space<vmem>> -> memref<64x128xf32, #tpu.memory_space<vmem>>
          %dma_wait3A_87 = tpu.memref_slice %arg8[%multiple_of3A_38] : memref<16384xi32, #tpu.memory_space<vmem>> -> memref<64xi32, #tpu.memory_space<vmem>>
          %dma_wait3A_88 = arith.constant 0 : i32
          %dma_wait3A_89 = arith.constant 0 : i32
          %dma_wait3A_90 = tpu.memref_slice %arg10[%dma_wait3A_88, %dma_wait3A_89] : memref<10112x128xf32, #tpu.memory_space<vmem_shared>> -> memref<10112x128xf32, #tpu.memory_space<vmem_shared>>
          tpu.wait_indirect_dma semaphore(%run_scoped3A : memref<!tpu.dma_semaphore, #tpu.memory_space<semaphore_mem>>) src(%dma_wait3A_86 : memref<64x128xf32, #tpu.memory_space<vmem>>) dst(%dma_wait3A_90 : memref<10112x128xf32, #tpu.memory_space<vmem_shared>>)
          tpu.yield
        }) : () -> ()
        %dma_start3A_61 = arith.constant 0 : i32
        %dma_start3A_62 = arith.constant 0 : i32
        %dma_start3A_63 = tpu.memref_slice %arg9[%dma_start3A_61, %dma_start3A_62] : memref<128x128xf32, #tpu.memory_space<vmem>> -> memref<64x128xf32, #tpu.memory_space<vmem>>
        %dma_start3A_64 = tpu.memref_slice %arg7[%multiple_of3A_45] : memref<16384xi32, #tpu.memory_space<vmem>> -> memref<64xi32, #tpu.memory_space<vmem>>
        %dma_start3A_65 = arith.constant 0 : i32
        %dma_start3A_66 = arith.constant 0 : i32
        %dma_start3A_67 = tpu.memref_slice %arg2[%dma_start3A_65, %dma_start3A_66] : memref<10000x128xf32, #tpu.memory_space<hbm>> -> memref<10000x128xf32, #tpu.memory_space<hbm>>
        tpu.enqueue_indirect_dma source(%dma_start3A_67 : memref<10000x128xf32, #tpu.memory_space<hbm>>) target(%dma_start3A_63 : memref<64x128xf32, #tpu.memory_space<vmem>>) offsets(%dma_start3A_64 : memref<64xi32, #tpu.memory_space<vmem>>) semaphore(%arg11 : memref<!tpu.dma_semaphore, #tpu.memory_space<semaphore_mem>>)
        %dma_wait3A_68 = arith.constant 64 : i32
        %dma_wait3A_69 = arith.constant 0 : i32
        %dma_wait3A_70 = tpu.memref_slice %arg9[%dma_wait3A_68, %dma_wait3A_69] : memref<128x128xf32, #tpu.memory_space<vmem>> -> memref<64x128xf32, #tpu.memory_space<vmem>>
        %dma_wait3A_71 = arith.constant 0 : i32
        %dma_wait3A_72 = tpu.memref_slice %arg7[%dma_wait3A_71] : memref<16384xi32, #tpu.memory_space<vmem>> -> memref<64xi32, #tpu.memory_space<vmem>>
        %dma_wait3A_73 = arith.constant 0 : i32
        %dma_wait3A_74 = arith.constant 0 : i32
        %dma_wait3A_75 = tpu.memref_slice %arg2[%dma_wait3A_73, %dma_wait3A_74] : memref<10000x128xf32, #tpu.memory_space<hbm>> -> memref<10000x128xf32, #tpu.memory_space<hbm>>
        tpu.wait_indirect_dma semaphore(%arg12 : memref<!tpu.dma_semaphore, #tpu.memory_space<semaphore_mem>>) src(%dma_wait3A_75 : memref<10000x128xf32, #tpu.memory_space<hbm>>) dst(%dma_wait3A_70 : memref<64x128xf32, #tpu.memory_space<vmem>>)
        "tpu.region"() ({
          %run_scoped3A = tpu.sem_alloc : memref<!tpu.dma_semaphore, #tpu.memory_space<semaphore_mem>>
          %dma_start3A_77 = arith.constant 64 : i32
          %dma_start3A_78 = arith.constant 0 : i32
          %dma_start3A_79 = tpu.memref_slice %arg9[%dma_start3A_77, %dma_start3A_78] : memref<128x128xf32, #tpu.memory_space<vmem>> -> memref<64x128xf32, #tpu.memory_space<vmem>>
          %dma_start3A_80 = tpu.memref_slice %arg8[%multiple_of3A_41] : memref<16384xi32, #tpu.memory_space<vmem>> -> memref<64xi32, #tpu.memory_space<vmem>>
          %dma_start3A_81 = arith.constant 0 : i32
          %dma_start3A_82 = arith.constant 0 : i32
          %dma_start3A_83 = tpu.memref_slice %arg10[%dma_start3A_81, %dma_start3A_82] : memref<10112x128xf32, #tpu.memory_space<vmem_shared>> -> memref<10112x128xf32, #tpu.memory_space<vmem_shared>>
          tpu.enqueue_indirect_dma source(%dma_start3A_79 : memref<64x128xf32, #tpu.memory_space<vmem>>) target(%dma_start3A_83 : memref<10112x128xf32, #tpu.memory_space<vmem_shared>>) offsets(%dma_start3A_80 : memref<64xi32, #tpu.memory_space<vmem>>) semaphore(%run_scoped3A : memref<!tpu.dma_semaphore, #tpu.memory_space<semaphore_mem>>) {add = true}
          %dma_wait3A_84 = arith.constant 64 : i32
          %dma_wait3A_85 = arith.constant 0 : i32
          %dma_wait3A_86 = tpu.memref_slice %arg9[%dma_wait3A_84, %dma_wait3A_85] : memref<128x128xf32, #tpu.memory_space<vmem>> -> memref<64x128xf32, #tpu.memory_space<vmem>>
          %dma_wait3A_87 = tpu.memref_slice %arg8[%multiple_of3A_41] : memref<16384xi32, #tpu.memory_space<vmem>> -> memref<64xi32, #tpu.memory_space<vmem>>
          %dma_wait3A_88 = arith.constant 0 : i32
          %dma_wait3A_89 = arith.constant 0 : i32
          %dma_wait3A_90 = tpu.memref_slice %arg10[%dma_wait3A_88, %dma_wait3A_89] : memref<10112x128xf32, #tpu.memory_space<vmem_shared>> -> memref<10112x128xf32, #tpu.memory_space<vmem_shared>>
          tpu.wait_indirect_dma semaphore(%run_scoped3A : memref<!tpu.dma_semaphore, #tpu.memory_space<semaphore_mem>>) src(%dma_wait3A_86 : memref<64x128xf32, #tpu.memory_space<vmem>>) dst(%dma_wait3A_90 : memref<10112x128xf32, #tpu.memory_space<vmem_shared>>)
          tpu.yield
        }) : () -> ()
        %scan3A_76 = arith.constant 0 : i32
        scf.yield %scan3A_76 : i32
      }
      %scan3A_23 = arith.constant 30 : i32
      %dma_wait3A = arith.constant 0 : i32
      %dma_wait3A_24 = arith.constant 0 : i32
      %dma_wait3A_25 = tpu.memref_slice %arg9[%dma_wait3A, %dma_wait3A_24] : memref<128x128xf32, #tpu.memory_space<vmem>> -> memref<64x128xf32, #tpu.memory_space<vmem>>
      %dma_wait3A_26 = arith.constant 0 : i32
      %dma_wait3A_27 = tpu.memref_slice %arg7[%dma_wait3A_26] : memref<16384xi32, #tpu.memory_space<vmem>> -> memref<64xi32, #tpu.memory_space<vmem>>
      %dma_wait3A_28 = arith.constant 0 : i32
      %dma_wait3A_29 = arith.constant 0 : i32
      %dma_wait3A_30 = tpu.memref_slice %arg2[%dma_wait3A_28, %dma_wait3A_29] : memref<10000x128xf32, #tpu.memory_space<hbm>> -> memref<10000x128xf32, #tpu.memory_space<hbm>>
      tpu.wait_indirect_dma semaphore(%arg11 : memref<!tpu.dma_semaphore, #tpu.memory_space<semaphore_mem>>) src(%dma_wait3A_30 : memref<10000x128xf32, #tpu.memory_space<hbm>>) dst(%dma_wait3A_25 : memref<64x128xf32, #tpu.memory_space<vmem>>)
      %barrier3A_31 = arith.constant 0 : index
      tpu.barrier barrier_id(%barrier3A_31)
    } else {
    }
    "tpu.region"() ({
      %run_scoped3A = tpu.sem_alloc : memref<!tpu.dma_semaphore, #tpu.memory_space<semaphore_mem>>
      %dma_start3A = arith.constant 0 : i32
      %dma_start3A_8 = tpu.memref_slice %arg6[%arg0, %multiple_of3A, %dma_start3A] : memref<2x10112x128xf32, #tpu.memory_space<hbm>> -> memref<1x632x128xf32, #tpu.memory_space<hbm>>
      %dma_start3A_9 = tpu.memref_squeeze %dma_start3A_8 : memref<1x632x128xf32, #tpu.memory_space<hbm>> -> memref<632x128xf32, #tpu.memory_space<hbm>>
      %dma_start3A_10 = arith.constant 0 : i32
      %dma_start3A_11 = tpu.memref_slice %arg10[%multiple_of3A, %dma_start3A_10] : memref<10112x128xf32, #tpu.memory_space<vmem_shared>> -> memref<632x128xf32, #tpu.memory_space<vmem_shared>>
      tpu.enqueue_dma source(%dma_start3A_11 : memref<632x128xf32, #tpu.memory_space<vmem_shared>>) target(%dma_start3A_9 : memref<632x128xf32, #tpu.memory_space<hbm>>) target_semaphore(%run_scoped3A : memref<!tpu.dma_semaphore, #tpu.memory_space<semaphore_mem>>)
      %dma_wait3A = arith.constant 0 : i32
      %dma_wait3A_12 = tpu.memref_slice %arg6[%arg0, %multiple_of3A, %dma_wait3A] : memref<2x10112x128xf32, #tpu.memory_space<hbm>> -> memref<1x632x128xf32, #tpu.memory_space<hbm>>
      %dma_wait3A_13 = tpu.memref_squeeze %dma_wait3A_12 : memref<1x632x128xf32, #tpu.memory_space<hbm>> -> memref<632x128xf32, #tpu.memory_space<hbm>>
      %dma_wait3A_14 = arith.constant 0 : i32
      %dma_wait3A_15 = tpu.memref_slice %arg10[%multiple_of3A, %dma_wait3A_14] : memref<10112x128xf32, #tpu.memory_space<vmem_shared>> -> memref<632x128xf32, #tpu.memory_space<vmem_shared>>
      tpu.wait_dma2 semaphore(%run_scoped3A : memref<!tpu.dma_semaphore, #tpu.memory_space<semaphore_mem>>) src(%dma_wait3A_15 : memref<632x128xf32, #tpu.memory_space<vmem_shared>>) dst(%dma_wait3A_13 : memref<632x128xf32, #tpu.memory_space<hbm>>)
      tpu.yield
    }) : () -> ()
    return
  }
}

#map = affine_map<(d0, d1) -> (0, 0, 0)>
#map1 = affine_map<(d0, d1) -> (0, 0)>
module attributes {stable_mosaic.version = 14 : i64} {
  func.func @_dega_body(%arg0: i32, %arg1: i32, %arg2: memref<32x79x128xi32, #tpu.memory_space<hbm>>, %arg3: memref<32x79x128xi32, #tpu.memory_space<hbm>>, %arg4: memref<128x128xf32, #tpu.memory_space<hbm>>, %arg5: memref<10112x128xf32, #tpu.memory_space<hbm>>, %arg6: memref<2x10112x128xf32, #tpu.memory_space<hbm>>, %arg7: memref<32x79x128xi32, #tpu.memory_space<hbm>>, %arg8: memref<79x128xi32, #tpu.memory_space<vmem>>, %arg9: memref<79x128xi32, #tpu.memory_space<vmem>>, %arg10: memref<128x128xf32, #tpu.memory_space<vmem>>, %arg11: memref<10112x128xf32, #tpu.memory_space<vmem_shared>>) attributes {dimension_semantics = [#tpu.dimension_semantics<core_parallel>, #tpu.dimension_semantics<subcore_parallel>], iteration_bounds = array<i64: 2, 16>, scalar_prefetch = 0 : i64, scratch_operands = 4 : i64, tpu.core_type = #tpu.core_type<sc_vector_subcore>, window_params = [{transform_indices = #map}, {transform_indices = #map}, {transform_indices = #map1}, {transform_indices = #map1}, {transform_indices = #map}, {transform_indices = #map}]} {
    %mul3A = arith.constant 2 : i32
    %mul3A_0 = arith.muli %arg1, %mul3A : i32
    %add3A = arith.addi %mul3A_0, %arg0 : i32
    %mul3A_1 = arith.constant 632 : i32
    %mul3A_2 = arith.muli %arg1, %mul3A_1 : i32
    %multiple_of3A = tpu.assume_multiple %mul3A_2, 8 : i32
    "tpu.region"() ({
      %run_scoped3A = tpu.sem_alloc : memref<!tpu.dma_semaphore, #tpu.memory_space<semaphore_mem>>
      %dma_start3A = arith.constant 0 : i32
      %dma_start3A_17 = arith.constant 0 : i32
      %dma_start3A_18 = tpu.memref_slice %arg2[%add3A, %dma_start3A, %dma_start3A_17] : memref<32x79x128xi32, #tpu.memory_space<hbm>> -> memref<1x79x128xi32, #tpu.memory_space<hbm>>
      %dma_start3A_19 = tpu.memref_squeeze %dma_start3A_18 : memref<1x79x128xi32, #tpu.memory_space<hbm>> -> memref<79x128xi32, #tpu.memory_space<hbm>>
      %dma_start3A_20 = arith.constant 0 : i32
      %dma_start3A_21 = arith.constant 0 : i32
      %dma_start3A_22 = tpu.memref_slice %arg2[%add3A, %dma_start3A_20, %dma_start3A_21] : memref<32x79x128xi32, #tpu.memory_space<hbm>> -> memref<1x79x128xi32, #tpu.memory_space<hbm>>
      %dma_start3A_23 = tpu.memref_squeeze %dma_start3A_22 : memref<1x79x128xi32, #tpu.memory_space<hbm>> -> memref<79x128xi32, #tpu.memory_space<hbm>>
      tpu.enqueue_dma source(%dma_start3A_23 : memref<79x128xi32, #tpu.memory_space<hbm>>) target(%arg8 : memref<79x128xi32, #tpu.memory_space<vmem>>) target_semaphore(%run_scoped3A : memref<!tpu.dma_semaphore, #tpu.memory_space<semaphore_mem>>)
      %dma_wait3A = arith.constant 0 : i32
      %dma_wait3A_24 = arith.constant 0 : i32
      %dma_wait3A_25 = tpu.memref_slice %arg2[%add3A, %dma_wait3A, %dma_wait3A_24] : memref<32x79x128xi32, #tpu.memory_space<hbm>> -> memref<1x79x128xi32, #tpu.memory_space<hbm>>
      %dma_wait3A_26 = tpu.memref_squeeze %dma_wait3A_25 : memref<1x79x128xi32, #tpu.memory_space<hbm>> -> memref<79x128xi32, #tpu.memory_space<hbm>>
      %dma_wait3A_27 = arith.constant 0 : i32
      %dma_wait3A_28 = arith.constant 0 : i32
      %dma_wait3A_29 = tpu.memref_slice %arg2[%add3A, %dma_wait3A_27, %dma_wait3A_28] : memref<32x79x128xi32, #tpu.memory_space<hbm>> -> memref<1x79x128xi32, #tpu.memory_space<hbm>>
      %dma_wait3A_30 = tpu.memref_squeeze %dma_wait3A_29 : memref<1x79x128xi32, #tpu.memory_space<hbm>> -> memref<79x128xi32, #tpu.memory_space<hbm>>
      tpu.wait_dma2 semaphore(%run_scoped3A : memref<!tpu.dma_semaphore, #tpu.memory_space<semaphore_mem>>) src(%dma_wait3A_30 : memref<79x128xi32, #tpu.memory_space<hbm>>) dst(%arg8 : memref<79x128xi32, #tpu.memory_space<vmem>>)
      tpu.yield
    }) : () -> ()
    "tpu.region"() ({
      %run_scoped3A = tpu.sem_alloc : memref<!tpu.dma_semaphore, #tpu.memory_space<semaphore_mem>>
      %dma_start3A = arith.constant 0 : i32
      %dma_start3A_17 = arith.constant 0 : i32
      %dma_start3A_18 = tpu.memref_slice %arg3[%add3A, %dma_start3A, %dma_start3A_17] : memref<32x79x128xi32, #tpu.memory_space<hbm>> -> memref<1x79x128xi32, #tpu.memory_space<hbm>>
      %dma_start3A_19 = tpu.memref_squeeze %dma_start3A_18 : memref<1x79x128xi32, #tpu.memory_space<hbm>> -> memref<79x128xi32, #tpu.memory_space<hbm>>
      %dma_start3A_20 = arith.constant 0 : i32
      %dma_start3A_21 = arith.constant 0 : i32
      %dma_start3A_22 = tpu.memref_slice %arg3[%add3A, %dma_start3A_20, %dma_start3A_21] : memref<32x79x128xi32, #tpu.memory_space<hbm>> -> memref<1x79x128xi32, #tpu.memory_space<hbm>>
      %dma_start3A_23 = tpu.memref_squeeze %dma_start3A_22 : memref<1x79x128xi32, #tpu.memory_space<hbm>> -> memref<79x128xi32, #tpu.memory_space<hbm>>
      tpu.enqueue_dma source(%dma_start3A_23 : memref<79x128xi32, #tpu.memory_space<hbm>>) target(%arg9 : memref<79x128xi32, #tpu.memory_space<vmem>>) target_semaphore(%run_scoped3A : memref<!tpu.dma_semaphore, #tpu.memory_space<semaphore_mem>>)
      %dma_wait3A = arith.constant 0 : i32
      %dma_wait3A_24 = arith.constant 0 : i32
      %dma_wait3A_25 = tpu.memref_slice %arg3[%add3A, %dma_wait3A, %dma_wait3A_24] : memref<32x79x128xi32, #tpu.memory_space<hbm>> -> memref<1x79x128xi32, #tpu.memory_space<hbm>>
      %dma_wait3A_26 = tpu.memref_squeeze %dma_wait3A_25 : memref<1x79x128xi32, #tpu.memory_space<hbm>> -> memref<79x128xi32, #tpu.memory_space<hbm>>
      %dma_wait3A_27 = arith.constant 0 : i32
      %dma_wait3A_28 = arith.constant 0 : i32
      %dma_wait3A_29 = tpu.memref_slice %arg3[%add3A, %dma_wait3A_27, %dma_wait3A_28] : memref<32x79x128xi32, #tpu.memory_space<hbm>> -> memref<1x79x128xi32, #tpu.memory_space<hbm>>
      %dma_wait3A_30 = tpu.memref_squeeze %dma_wait3A_29 : memref<1x79x128xi32, #tpu.memory_space<hbm>> -> memref<79x128xi32, #tpu.memory_space<hbm>>
      tpu.wait_dma2 semaphore(%run_scoped3A : memref<!tpu.dma_semaphore, #tpu.memory_space<semaphore_mem>>) src(%dma_wait3A_30 : memref<79x128xi32, #tpu.memory_space<hbm>>) dst(%arg9 : memref<79x128xi32, #tpu.memory_space<vmem>>)
      tpu.yield
    }) : () -> ()
    "tpu.region"() ({
      %run_scoped3A = tpu.sem_alloc : memref<!tpu.dma_semaphore, #tpu.memory_space<semaphore_mem>>
      tpu.enqueue_dma source(%arg4 : memref<128x128xf32, #tpu.memory_space<hbm>>) target(%arg10 : memref<128x128xf32, #tpu.memory_space<vmem>>) target_semaphore(%run_scoped3A : memref<!tpu.dma_semaphore, #tpu.memory_space<semaphore_mem>>)
      tpu.wait_dma2 semaphore(%run_scoped3A : memref<!tpu.dma_semaphore, #tpu.memory_space<semaphore_mem>>) src(%arg4 : memref<128x128xf32, #tpu.memory_space<hbm>>) dst(%arg10 : memref<128x128xf32, #tpu.memory_space<vmem>>)
      tpu.yield
    }) : () -> ()
    "tpu.region"() ({
      %run_scoped3A = tpu.sem_alloc : memref<!tpu.dma_semaphore, #tpu.memory_space<semaphore_mem>>
      %dma_start3A = arith.constant 0 : i32
      %dma_start3A_17 = tpu.memref_slice %arg11[%multiple_of3A, %dma_start3A] : memref<10112x128xf32, #tpu.memory_space<vmem_shared>> -> memref<632x128xf32, #tpu.memory_space<vmem_shared>>
      %dma_start3A_18 = arith.constant 0 : i32
      %dma_start3A_19 = tpu.memref_slice %arg5[%multiple_of3A, %dma_start3A_18] : memref<10112x128xf32, #tpu.memory_space<hbm>> -> memref<632x128xf32, #tpu.memory_space<hbm>>
      tpu.enqueue_dma source(%dma_start3A_19 : memref<632x128xf32, #tpu.memory_space<hbm>>) target(%dma_start3A_17 : memref<632x128xf32, #tpu.memory_space<vmem_shared>>) target_semaphore(%run_scoped3A : memref<!tpu.dma_semaphore, #tpu.memory_space<semaphore_mem>>)
      %dma_wait3A = arith.constant 0 : i32
      %dma_wait3A_20 = tpu.memref_slice %arg11[%multiple_of3A, %dma_wait3A] : memref<10112x128xf32, #tpu.memory_space<vmem_shared>> -> memref<632x128xf32, #tpu.memory_space<vmem_shared>>
      %dma_wait3A_21 = arith.constant 0 : i32
      %dma_wait3A_22 = tpu.memref_slice %arg5[%multiple_of3A, %dma_wait3A_21] : memref<10112x128xf32, #tpu.memory_space<hbm>> -> memref<632x128xf32, #tpu.memory_space<hbm>>
      tpu.wait_dma2 semaphore(%run_scoped3A : memref<!tpu.dma_semaphore, #tpu.memory_space<semaphore_mem>>) src(%dma_wait3A_22 : memref<632x128xf32, #tpu.memory_space<hbm>>) dst(%dma_wait3A_20 : memref<632x128xf32, #tpu.memory_space<vmem_shared>>)
      tpu.yield
    }) : () -> ()
    %scan3A = arith.constant 0 : i32
    %scan3A_3 = arith.constant 0 : i32
    %scan3A_4 = arith.constant 79 : i32
    %scan3A_5 = arith.addi %scan3A_3, %scan3A_4 : i32
    %scan3A_6 = arith.constant 1 : i32
    %scan3A_7 = scf.for %scan3A_17 = %scan3A_3 to %scan3A_5 step %scan3A_6 iter_args(%scan3A_18 = %scan3A) -> (i32)  : i32 {
      %scan3A_19 = arith.constant 0 : i32
      %scan3A_20 = arith.constant 0 : i32
      %scan3A_21 = arith.constant 8 : i32
      %scan3A_22 = arith.addi %scan3A_20, %scan3A_21 : i32
      %scan3A_23 = arith.constant 1 : i32
      %scan3A_24 = scf.for %scan3A_26 = %scan3A_20 to %scan3A_22 step %scan3A_23 iter_args(%scan3A_27 = %scan3A_19) -> (i32)  : i32 {
        %mul3A_28 = arith.constant 16 : i32
        %mul3A_29 = arith.muli %scan3A_26, %mul3A_28 : i32
        %multiple_of3A_30 = tpu.assume_multiple %mul3A_29, 16 : i32
        %get3A = arith.index_cast %scan3A_17 : i32 to index
        %get3A_31 = arith.index_cast %multiple_of3A_30 : i32 to index
        %get3A_32 = tpu.vector_load %arg8[%get3A, %get3A_31] {strides = array<i32>} : memref<79x128xi32, #tpu.memory_space<vmem>>, vector<1x16xi32>,
        %get3A_33 = vector.shape_cast %get3A_32 : vector<1x16xi32> to vector<16xi32>
        %get3A_34 = arith.index_cast %scan3A_17 : i32 to index
        %get3A_35 = arith.index_cast %multiple_of3A_30 : i32 to index
        %get3A_36 = tpu.vector_load %arg9[%get3A_34, %get3A_35] {strides = array<i32>} : memref<79x128xi32, #tpu.memory_space<vmem>>, vector<1x16xi32>,
        %get3A_37 = vector.shape_cast %get3A_36 : vector<1x16xi32> to vector<16xi32>
        %eq3A = arith.cmpi eq, %get3A_33, %get3A_37 : vector<16xi32>
        %jit3A = arith.constant 10000 : i32
        %broadcast_in_dim3A = vector.broadcast %jit3A : i32 to vector<16xi32>
        %select_n3A = arith.select %eq3A, %broadcast_in_dim3A, %get3A_37 : vector<16xi1>, vector<16xi32>
        %swap3A = arith.index_cast %scan3A_17 : i32 to index
        %swap3A_38 = arith.index_cast %multiple_of3A_30 : i32 to index
        %swap3A_39 = tpu.vector_load %arg9[%swap3A, %swap3A_38] {strides = array<i32>} : memref<79x128xi32, #tpu.memory_space<vmem>>, vector<1x16xi32>,
        %swap3A_40 = vector.shape_cast %swap3A_39 : vector<1x16xi32> to vector<16xi32>
        %swap3A_41 = vector.shape_cast %select_n3A : vector<16xi32> to vector<1x16xi32>
        tpu.vector_store %arg9[%swap3A, %swap3A_38], %swap3A_41 {strides = array<i32>} : memref<79x128xi32, #tpu.memory_space<vmem>>, vector<1x16xi32>,
        %scan3A_42 = arith.constant 0 : i32
        scf.yield %scan3A_42 : i32
      }
      %scan3A_25 = arith.constant 8 : i32
      scf.yield %scan3A_24 : i32
    }
    %scan3A_8 = arith.constant 79 : i32
    %barrier3A = arith.constant 0 : index
    tpu.barrier barrier_id(%barrier3A)
    %scan3A_9 = arith.constant 0 : i32
    %scan3A_10 = arith.constant 0 : i32
    %scan3A_11 = arith.constant 79 : i32
    %scan3A_12 = arith.addi %scan3A_10, %scan3A_11 : i32
    %scan3A_13 = arith.constant 1 : i32
    %scan3A_14 = scf.for %scan3A_17 = %scan3A_10 to %scan3A_12 step %scan3A_13 iter_args(%scan3A_18 = %scan3A_9) -> (i32)  : i32 {
      "tpu.region"() ({
        %run_scoped3A = tpu.sem_alloc : memref<!tpu.dma_semaphore, #tpu.memory_space<semaphore_mem>>
        %dma_start3A = arith.constant 0 : i32
        %dma_start3A_20 = tpu.memref_slice %arg9[%scan3A_17, %dma_start3A] : memref<79x128xi32, #tpu.memory_space<vmem>> -> memref<1x128xi32, #tpu.memory_space<vmem>>
        %dma_start3A_21 = tpu.memref_squeeze %dma_start3A_20 : memref<1x128xi32, #tpu.memory_space<vmem>> -> memref<128xi32, #tpu.memory_space<vmem>>
        %dma_start3A_22 = arith.constant 0 : i32
        %dma_start3A_23 = arith.constant 0 : i32
        %dma_start3A_24 = tpu.memref_slice %arg11[%dma_start3A_22, %dma_start3A_23] : memref<10112x128xf32, #tpu.memory_space<vmem_shared>> -> memref<10112x128xf32, #tpu.memory_space<vmem_shared>>
        tpu.enqueue_indirect_dma source(%arg10 : memref<128x128xf32, #tpu.memory_space<vmem>>) target(%dma_start3A_24 : memref<10112x128xf32, #tpu.memory_space<vmem_shared>>) offsets(%dma_start3A_21 : memref<128xi32, #tpu.memory_space<vmem>>) semaphore(%run_scoped3A : memref<!tpu.dma_semaphore, #tpu.memory_space<semaphore_mem>>) {add = true}
        %dma_wait3A = arith.constant 0 : i32
        %dma_wait3A_25 = tpu.memref_slice %arg9[%scan3A_17, %dma_wait3A] : memref<79x128xi32, #tpu.memory_space<vmem>> -> memref<1x128xi32, #tpu.memory_space<vmem>>
        %dma_wait3A_26 = tpu.memref_squeeze %dma_wait3A_25 : memref<1x128xi32, #tpu.memory_space<vmem>> -> memref<128xi32, #tpu.memory_space<vmem>>
        %dma_wait3A_27 = arith.constant 0 : i32
        %dma_wait3A_28 = arith.constant 0 : i32
        %dma_wait3A_29 = tpu.memref_slice %arg11[%dma_wait3A_27, %dma_wait3A_28] : memref<10112x128xf32, #tpu.memory_space<vmem_shared>> -> memref<10112x128xf32, #tpu.memory_space<vmem_shared>>
        tpu.wait_indirect_dma semaphore(%run_scoped3A : memref<!tpu.dma_semaphore, #tpu.memory_space<semaphore_mem>>) src(%arg10 : memref<128x128xf32, #tpu.memory_space<vmem>>) dst(%dma_wait3A_29 : memref<10112x128xf32, #tpu.memory_space<vmem_shared>>)
        tpu.yield
      }) : () -> ()
      %scan3A_19 = arith.constant 0 : i32
      scf.yield %scan3A_19 : i32
    }
    %scan3A_15 = arith.constant 79 : i32
    %barrier3A_16 = arith.constant 0 : index
    tpu.barrier barrier_id(%barrier3A_16)
    "tpu.region"() ({
      %run_scoped3A = tpu.sem_alloc : memref<!tpu.dma_semaphore, #tpu.memory_space<semaphore_mem>>
      %dma_start3A = arith.constant 0 : i32
      %dma_start3A_17 = arith.constant 0 : i32
      %dma_start3A_18 = tpu.memref_slice %arg7[%add3A, %dma_start3A, %dma_start3A_17] : memref<32x79x128xi32, #tpu.memory_space<hbm>> -> memref<1x79x128xi32, #tpu.memory_space<hbm>>
      %dma_start3A_19 = tpu.memref_squeeze %dma_start3A_18 : memref<1x79x128xi32, #tpu.memory_space<hbm>> -> memref<79x128xi32, #tpu.memory_space<hbm>>
      %dma_start3A_20 = arith.constant 0 : i32
      %dma_start3A_21 = arith.constant 0 : i32
      %dma_start3A_22 = tpu.memref_slice %arg7[%add3A, %dma_start3A_20, %dma_start3A_21] : memref<32x79x128xi32, #tpu.memory_space<hbm>> -> memref<1x79x128xi32, #tpu.memory_space<hbm>>
      %dma_start3A_23 = tpu.memref_squeeze %dma_start3A_22 : memref<1x79x128xi32, #tpu.memory_space<hbm>> -> memref<79x128xi32, #tpu.memory_space<hbm>>
      tpu.enqueue_dma source(%arg9 : memref<79x128xi32, #tpu.memory_space<vmem>>) target(%dma_start3A_23 : memref<79x128xi32, #tpu.memory_space<hbm>>) target_semaphore(%run_scoped3A : memref<!tpu.dma_semaphore, #tpu.memory_space<semaphore_mem>>)
      %dma_wait3A = arith.constant 0 : i32
      %dma_wait3A_24 = arith.constant 0 : i32
      %dma_wait3A_25 = tpu.memref_slice %arg7[%add3A, %dma_wait3A, %dma_wait3A_24] : memref<32x79x128xi32, #tpu.memory_space<hbm>> -> memref<1x79x128xi32, #tpu.memory_space<hbm>>
      %dma_wait3A_26 = tpu.memref_squeeze %dma_wait3A_25 : memref<1x79x128xi32, #tpu.memory_space<hbm>> -> memref<79x128xi32, #tpu.memory_space<hbm>>
      %dma_wait3A_27 = arith.constant 0 : i32
      %dma_wait3A_28 = arith.constant 0 : i32
      %dma_wait3A_29 = tpu.memref_slice %arg7[%add3A, %dma_wait3A_27, %dma_wait3A_28] : memref<32x79x128xi32, #tpu.memory_space<hbm>> -> memref<1x79x128xi32, #tpu.memory_space<hbm>>
      %dma_wait3A_30 = tpu.memref_squeeze %dma_wait3A_29 : memref<1x79x128xi32, #tpu.memory_space<hbm>> -> memref<79x128xi32, #tpu.memory_space<hbm>>
      tpu.wait_dma2 semaphore(%run_scoped3A : memref<!tpu.dma_semaphore, #tpu.memory_space<semaphore_mem>>) src(%arg9 : memref<79x128xi32, #tpu.memory_space<vmem>>) dst(%dma_wait3A_30 : memref<79x128xi32, #tpu.memory_space<hbm>>)
      tpu.yield
    }) : () -> ()
    "tpu.region"() ({
      %run_scoped3A = tpu.sem_alloc : memref<!tpu.dma_semaphore, #tpu.memory_space<semaphore_mem>>
      %dma_start3A = arith.constant 0 : i32
      %dma_start3A_17 = tpu.memref_slice %arg6[%arg0, %multiple_of3A, %dma_start3A] : memref<2x10112x128xf32, #tpu.memory_space<hbm>> -> memref<1x632x128xf32, #tpu.memory_space<hbm>>
      %dma_start3A_18 = tpu.memref_squeeze %dma_start3A_17 : memref<1x632x128xf32, #tpu.memory_space<hbm>> -> memref<632x128xf32, #tpu.memory_space<hbm>>
      %dma_start3A_19 = arith.constant 0 : i32
      %dma_start3A_20 = tpu.memref_slice %arg11[%multiple_of3A, %dma_start3A_19] : memref<10112x128xf32, #tpu.memory_space<vmem_shared>> -> memref<632x128xf32, #tpu.memory_space<vmem_shared>>
      tpu.enqueue_dma source(%dma_start3A_20 : memref<632x128xf32, #tpu.memory_space<vmem_shared>>) target(%dma_start3A_18 : memref<632x128xf32, #tpu.memory_space<hbm>>) target_semaphore(%run_scoped3A : memref<!tpu.dma_semaphore, #tpu.memory_space<semaphore_mem>>)
      %dma_wait3A = arith.constant 0 : i32
      %dma_wait3A_21 = tpu.memref_slice %arg6[%arg0, %multiple_of3A, %dma_wait3A] : memref<2x10112x128xf32, #tpu.memory_space<hbm>> -> memref<1x632x128xf32, #tpu.memory_space<hbm>>
      %dma_wait3A_22 = tpu.memref_squeeze %dma_wait3A_21 : memref<1x632x128xf32, #tpu.memory_space<hbm>> -> memref<632x128xf32, #tpu.memory_space<hbm>>
      %dma_wait3A_23 = arith.constant 0 : i32
      %dma_wait3A_24 = tpu.memref_slice %arg11[%multiple_of3A, %dma_wait3A_23] : memref<10112x128xf32, #tpu.memory_space<vmem_shared>> -> memref<632x128xf32, #tpu.memory_space<vmem_shared>>
      tpu.wait_dma2 semaphore(%run_scoped3A : memref<!tpu.dma_semaphore, #tpu.memory_space<semaphore_mem>>) src(%dma_wait3A_24 : memref<632x128xf32, #tpu.memory_space<vmem_shared>>) dst(%dma_wait3A_22 : memref<632x128xf32, #tpu.memory_space<hbm>>)
      tpu.yield
    }) : () -> ()
    return
  }
}

module attributes {stable_mosaic.version = 14 : i64} {
  func.func @_dense_body(%arg0: memref<10000x128xf32, #tpu.memory_space<vmem>>, %arg1: memref<128x128xf32, #tpu.memory_space<vmem>>, %arg2: memref<128x128xf32, #tpu.memory_space<vmem>>, %arg3: memref<10112x128xf32, #tpu.memory_space<vmem>>, %arg4: memref<10112x128xf32, #tpu.memory_space<vmem>>, %arg5: memref<10000x128xf32, #tpu.memory_space<vmem>>, %arg6: memref<10000x128xf32, #tpu.memory_space<vmem>>, %arg7: memref<10000x1xf32, #tpu.memory_space<vmem>>) attributes {dimension_semantics = [], scalar_prefetch = 0 : i64, scratch_operands = 0 : i64, tpu.core_type = #tpu.core_type<tc>} {
    %get3A = arith.constant 0 : index
    %get3A_0 = arith.constant 0 : index
    %get3A_1 = vector.load %arg0[%get3A, %get3A_0] : memref<10000x128xf32, #tpu.memory_space<vmem>>, vector<10000x128xf32>
    %get3A_2 = arith.constant 0 : index
    %get3A_3 = arith.constant 0 : index
    %get3A_4 = vector.load %arg1[%get3A_2, %get3A_3] : memref<128x128xf32, #tpu.memory_space<vmem>>, vector<128x128xf32>
    %dot_general3A = arith.constant dense<0.000000e+00> : vector<10000x128xf32>
    %dot_general3A_5 = tpu.matmul %get3A_1, %get3A_4, %dot_general3A {dimension_numbers = #tpu.dot_dimension_numbers<[1], [1], [0], [0], [0, 0, 1, 0], [], []>, transpose_lhs_hint = false} : vector<10000x128xf32>, vector<128x128xf32>, vector<10000x128xf32> -> vector<10000x128xf32>
    %reduce_sum3A = arith.constant dense<0.000000e+00> : vector<128xf32>
    %reduce_sum3A_6 = vector.multi_reduction <add>, %dot_general3A_5, %reduce_sum3A [0] : vector<10000x128xf32> to vector<128xf32>
    %broadcast_in_dim3A = vector.shape_cast %reduce_sum3A_6 : vector<128xf32> to vector<1x128xf32>
    %div3A = arith.constant 1.000000e+04 : f32
    %div3A_7 = vector.broadcast %div3A : f32 to vector<1x128xf32>
    %div3A_8 = arith.divf %broadcast_in_dim3A, %div3A_7 : vector<1x128xf32>
    %sub3A = vector.broadcast %div3A_8 : vector<1x128xf32> to vector<10000x128xf32>
    %sub3A_9 = arith.subf %dot_general3A_5, %sub3A : vector<10000x128xf32>
    %integer_pow3A = arith.mulf %sub3A_9, %sub3A_9 : vector<10000x128xf32>
    %reduce_sum3A_10 = arith.constant dense<0.000000e+00> : vector<128xf32>
    %reduce_sum3A_11 = vector.multi_reduction <add>, %integer_pow3A, %reduce_sum3A_10 [0] : vector<10000x128xf32> to vector<128xf32>
    %broadcast_in_dim3A_12 = vector.shape_cast %reduce_sum3A_11 : vector<128xf32> to vector<1x128xf32>
    %div3A_13 = arith.constant 1.000000e+04 : f32
    %div3A_14 = vector.broadcast %div3A_13 : f32 to vector<1x128xf32>
    %div3A_15 = arith.divf %broadcast_in_dim3A_12, %div3A_14 : vector<1x128xf32>
    %sub3A_16 = vector.broadcast %div3A_8 : vector<1x128xf32> to vector<10000x128xf32>
    %sub3A_17 = arith.subf %dot_general3A_5, %sub3A_16 : vector<10000x128xf32>
    %add3A = arith.constant 9.99999974E-6 : f32
    %add3A_18 = vector.broadcast %add3A : f32 to vector<1x128xf32>
    %add3A_19 = arith.addf %div3A_15, %add3A_18 : vector<1x128xf32>
    %rsqrt3A = math.rsqrt %add3A_19 : vector<1x128xf32>
    %mul3A = vector.broadcast %rsqrt3A : vector<1x128xf32> to vector<10000x128xf32>
    %mul3A_20 = arith.mulf %sub3A_17, %mul3A : vector<10000x128xf32>
    %max3A = arith.constant 0.000000e+00 : f32
    %max3A_21 = vector.broadcast %max3A : f32 to vector<10000x128xf32>
    %max3A_22 = arith.maximumf %mul3A_20, %max3A_21 : vector<10000x128xf32>
    %get3A_23 = arith.constant 0 : index
    %get3A_24 = arith.constant 0 : index
    %get3A_25 = vector.load %arg2[%get3A_23, %get3A_24] : memref<128x128xf32, #tpu.memory_space<vmem>>, vector<128x128xf32>
    %dot_general3A_26 = arith.constant dense<0.000000e+00> : vector<10000x128xf32>
    %dot_general3A_27 = tpu.matmul %max3A_22, %get3A_25, %dot_general3A_26 {dimension_numbers = #tpu.dot_dimension_numbers<[1], [1], [0], [0], [0, 0, 1, 0], [], []>, transpose_lhs_hint = false} : vector<10000x128xf32>, vector<128x128xf32>, vector<10000x128xf32> -> vector<10000x128xf32>
    %get3A_28 = arith.constant 0 : index
    %get3A_29 = arith.constant 0 : index
    %get3A_30 = vector.load %arg3[%get3A_28, %get3A_29] : memref<10112x128xf32, #tpu.memory_space<vmem>>, vector<10000x1xf32>
    %add3A_31 = arith.constant 1.000000e+00 : f32
    %add3A_32 = vector.broadcast %add3A_31 : f32 to vector<10000x1xf32>
    %add3A_33 = arith.addf %add3A_32, %get3A_30 : vector<10000x1xf32>
    %get3A_34 = arith.constant 0 : index
    %get3A_35 = arith.constant 0 : index
    %get3A_36 = vector.load %arg4[%get3A_34, %get3A_35] : memref<10112x128xf32, #tpu.memory_space<vmem>>, vector<10000x1xf32>
    %add3A_37 = arith.addf %add3A_33, %get3A_36 : vector<10000x1xf32>
    %rsqrt3A_38 = math.rsqrt %add3A_37 : vector<10000x1xf32>
    %mul3A_39 = vector.broadcast %rsqrt3A_38 : vector<10000x1xf32> to vector<10000x128xf32>
    %mul3A_40 = arith.mulf %dot_general3A_27, %mul3A_39 : vector<10000x128xf32>
    %swap3A = arith.constant 0 : index
    %swap3A_41 = arith.constant 0 : index
    %swap3A_42 = vector.load %arg5[%swap3A, %swap3A_41] : memref<10000x128xf32, #tpu.memory_space<vmem>>, vector<10000x128xf32>
    tpu.vector_store %arg5[%swap3A, %swap3A_41], %mul3A_40 {strides = array<i32>} : memref<10000x128xf32, #tpu.memory_space<vmem>>, vector<10000x128xf32>,
    %div3A_43 = vector.broadcast %add3A_37 : vector<10000x1xf32> to vector<10000x128xf32>
    %div3A_44 = arith.divf %dot_general3A_27, %div3A_43 : vector<10000x128xf32>
    %swap3A_45 = arith.constant 0 : index
    %swap3A_46 = arith.constant 0 : index
    %swap3A_47 = vector.load %arg6[%swap3A_45, %swap3A_46] : memref<10000x128xf32, #tpu.memory_space<vmem>>, vector<10000x128xf32>
    tpu.vector_store %arg6[%swap3A_45, %swap3A_46], %div3A_44 {strides = array<i32>} : memref<10000x128xf32, #tpu.memory_space<vmem>>, vector<10000x128xf32>,
    %swap3A_48 = arith.constant 0 : index
    %swap3A_49 = arith.constant 0 : index
    %swap3A_50 = vector.load %arg7[%swap3A_48, %swap3A_49] : memref<10000x1xf32, #tpu.memory_space<vmem>>, vector<10000x1xf32>
    tpu.vector_store %arg7[%swap3A_48, %swap3A_49], %rsqrt3A_38 {strides = array<i32>} : memref<10000x1xf32, #tpu.memory_space<vmem>>, vector<10000x1xf32>,
    return
  }
}

module attributes {stable_mosaic.version = 14 : i64} {
  func.func @_combine_body(%arg0: memref<10112x128xf32, #tpu.memory_space<vmem>>, %arg1: memref<10112x128xf32, #tpu.memory_space<vmem>>, %arg2: memref<10000x128xf32, #tpu.memory_space<vmem>>, %arg3: memref<10000x1xf32, #tpu.memory_space<vmem>>, %arg4: memref<10000x128xf32, #tpu.memory_space<vmem>>) attributes {dimension_semantics = [], scalar_prefetch = 0 : i64, scratch_operands = 0 : i64, tpu.core_type = #tpu.core_type<tc>} {
    %get3A = arith.constant 0 : index
    %get3A_0 = arith.constant 0 : index
    %get3A_1 = vector.load %arg0[%get3A, %get3A_0] : memref<10112x128xf32, #tpu.memory_space<vmem>>, vector<10000x128xf32>
    %get3A_2 = arith.constant 0 : index
    %get3A_3 = arith.constant 0 : index
    %get3A_4 = vector.load %arg1[%get3A_2, %get3A_3] : memref<10112x128xf32, #tpu.memory_space<vmem>>, vector<10000x128xf32>
    %add3A = arith.addf %get3A_1, %get3A_4 : vector<10000x128xf32>
    %get3A_5 = arith.constant 0 : index
    %get3A_6 = arith.constant 0 : index
    %get3A_7 = vector.load %arg3[%get3A_5, %get3A_6] : memref<10000x1xf32, #tpu.memory_space<vmem>>, vector<10000x1xf32>
    %mul3A = vector.broadcast %get3A_7 : vector<10000x1xf32> to vector<10000x128xf32>
    %mul3A_8 = arith.mulf %add3A, %mul3A : vector<10000x128xf32>
    %get3A_9 = arith.constant 0 : index
    %get3A_10 = arith.constant 0 : index
    %get3A_11 = vector.load %arg2[%get3A_9, %get3A_10] : memref<10000x128xf32, #tpu.memory_space<vmem>>, vector<10000x128xf32>
    %add3A_12 = arith.addf %mul3A_8, %get3A_11 : vector<10000x128xf32>
    %swap3A = arith.constant 0 : index
    %swap3A_13 = arith.constant 0 : index
    %swap3A_14 = vector.load %arg4[%swap3A, %swap3A_13] : memref<10000x128xf32, #tpu.memory_space<vmem>>, vector<10000x128xf32>
    tpu.vector_store %arg4[%swap3A, %swap3A_13], %add3A_12 {strides = array<i32>} : memref<10000x128xf32, #tpu.memory_space<vmem>>, vector<10000x128xf32>,
    return
  }
}

</mosaic_0001>

<sc_bundles>
// kernel: kernel.6.cloned.1.call-start
scs
__scs_entry_jumppad:
0x0: {  	(pc) =	sbr.rel $0x88, $3  }
0x1: {  	(tag) =	ssettag $0x0;
	lr =	simm.s32 $0x1  }
0x2: {  	[smem:$0x3F9D] =	sst lr;
	_ =	strace $0xD0000000  }
0x3: {  	_ = 	snop  }
0x4: {  	_ = 	snop  }
0x5: {  	_ = 	snop  }
0x6: {  	_ = 	snop  }
0x7: {  	_ = 	snop  }
__scs_overlays_trampoline_lowered:
0x8: {  	[smem:$0x3FAC] =	sst s0  }
0x9: {  	[smem:$0x3FAD] =	sst s1  }
0xa: {  	[smem:$0x3FAE] =	sst s2  }
0xb: {  	[smem:$0x3FAF] =	sst s3  }
0xc: {  	[smem:$0x3FB0] =	sst s4  }
0xd: {  	[smem:$0x3FB1] =	sst s5  }
0xe: {  	[smem:$0x3FB2] =	sst s6  }
0xf: {  	[smem:$0x3FB3] =	sst s7  }
0x10: {  	[smem:$0x3FB4] =	sst s8  }
0x11: {  	[smem:$0x3FB5] =	sst s9;
	s0 =	simm.s32 @!p0 $0x0  }
0x12: {  	s1 =	sld [smem:$0x3F9B];
	s0 =	simm.s32 @p0 $0x1  }
0x13: {  	[smem:$0x3FB6] =	sst s0;
	s0 =	simm.s32 @!p1 $0x0  }
0x14: {  	s2 =	sld [smem:$0x3F9A];
	s0 =	simm.s32 @p1 $0x1  }
0x15: {  	[smem:$0x3FB7] =	sst s0;
	s0 =	simm.s32 @!p2 $0x0  }
0x16: {  	s3 =	sld [smem:$0x3FDB];
	s0 =	simm.s32 @p2 $0x1  }
0x17: {  	s4 =	simm.s32 $0x1BF5;
	[smem:$0x3FB9] =	sst s0  }
0x18: {  	s0 =	sld [smem:$0x3F9C];
	_ =	swait.ge [sflag:s4], $0x0  }
0x19: {  	s7 =	sld [smem:$0x3F9D]  }
0x1a: {  	s8 =	sadd.s32 $0xFFFFE003, lr  }
0x1b: {  	s9 =	sadd.s32 $0xFFFFFEF7, lr;
	s5 =	simm.s32 $0xFFFFFFFF;
	p2 =	slt.u32 s8, $0xFFFFF086  }
0x1c: {  	p1 =	slt.u32 s9, $0xF7A;
	s5 =	simm.s32 @!p2 $0x0  }
0x1d: {  	s5 =	simm.s32 @p1 $0x1;
	p0 =	seq.s32 s7, s2  }
0x1e: {  	s7 =	smul.u32 @!p0 $0xF7A, s2;
	p2 =	seq.s32 @!p0 s5, $0x0  }
0x1f: {  	s9 =	smul.u32 $0xF7A, s1;
	s8 =	simm.s32 @!p0 $0x1BF5;
	p2 =	por !p2, p0  }
0x20: {  	[sflag:s8] =	ssyncset.s32 @!p0 $0xFFFFF086;
	s6 =	sadd.s32 @!p0 s3, s7;
	s7 =	simm.s32 @!p0 $0x108  }
0x21: {  	s3 =	sadd.s32 s3, s9;
	s6 =	sadd.s32 @!p0 $0x88, s6;
	s7 =	simm.s32 @p2 $0x1082  }
0x22: {  	[simem:s7], [sflag:s8] =	dma.local @!p0 [hbm:s6], $0xF7A  }
0x23: {  	s9 =	sor.u32 $0xD0000000, s2;
	s6 =	simm.s32 $0x108;
	_ =	swait.ge @!p0 [sflag:s8], $0x0  }
0x24: {  	s3 =	sadd.s32 $0x88, s3;
	s6 =	simm.s32 @!p1 $0x1082;
	[sflag:s4] =	ssyncset.s32 $0xFFFFF086  }
0x25: {  	[simem:s6], [sflag:s4] =	dma.local [hbm:s3], $0xF7A  }
0x26: {  	[smem:$0x3F9D] =	sst s1;
	(tag) =	ssettag s2;
	_ =	strace s9  }
0x27: {  	s1 =	sld [smem:$0x3FAD]  }
0x28: {  	s2 =	sld [smem:$0x3FAE]  }
0x29: {  	s4 =	sld [smem:$0x3FB0]  }
0x2a: {  	p0 =	seq.s32 s5, $0x0;
	s5 =	sld [smem:$0x3FB1]  }
0x2b: {  	s6 =	sld [smem:$0x3FB2]  }
0x2c: {  	s7 =	sld [smem:$0x3FB3]  }
0x2d: {  	s3 =	simm.s32 $0x108;
	s8 =	sld [smem:$0x3FB4]  }
0x2e: {  	s3 =	simm.s32 @!p0 $0x1082;
	s9 =	sld [smem:$0x3FB5]  }
0x2f: {  	lr =	sadd.s32 s0, s3;
	s0 =	sld [smem:$0x3FAC]  }
0x30: {  	s3 =	sld [smem:$0x3FAF]  }
0x31: {  	[smem:$0x3FB8] =	sst s10  }
0x32: {  	s10 =	sld [smem:$0x3FB6];
	_ =	sdelay $0x3  }
0x33: {  	p0 =	seq.s32 s10, $0x1;
	s10 =	sld [smem:$0x3FB8];
	_ =	sdelay $0x3  }
0x34: {  	[smem:$0x3FB8] =	sst s10  }
0x35: {  	s10 =	sld [smem:$0x3FB7];
	_ =	sdelay $0x3  }
0x36: {  	p1 =	seq.s32 s10, $0x1;
	s10 =	sld [smem:$0x3FB8];
	_ =	sdelay $0x3  }
0x37: {  	[smem:$0x3FB8] =	sst s10  }
0x38: {  	s10 =	sld [smem:$0x3FB9]  }
0x39: {  	_ = 	snop;
	(pc) =	sbr.ind lr, $3  }
0x3a: {  	_ = 	snop  }
0x3b: {  	_ = 	snop  }
0x3c: {  	p2 =	seq.s32 s10, $0x1;
	s10 =	sld [smem:$0x3FB8]  }
0x3d: {  	_ =	shalt  }
0x3e: {  	_ =	shalt  }
0x3f: {  	_ =	shalt  }
0x40: {  	_ =	shalt  }
0x41: {  	_ =	shalt  }
0x42: {  	_ =	shalt  }
0x43: {  	_ =	shalt  }
0x44: {  	_ =	shalt  }
0x45: {  	_ =	shalt  }
0x46: {  	_ =	shalt  }
0x47: {  	_ =	shalt  }
0x48: {  	_ =	shalt  }
0x49: {  	_ =	shalt  }
0x4a: {  	_ =	shalt  }
0x4b: {  	_ =	shalt  }
0x4c: {  	_ =	shalt  }
0x4d: {  	_ =	shalt  }
0x4e: {  	_ =	shalt  }
0x4f: {  	_ =	shalt  }
0x50: {  	_ =	shalt  }
0x51: {  	_ =	shalt  }
0x52: {  	_ =	shalt  }
0x53: {  	_ =	shalt  }
0x54: {  	_ =	shalt  }
0x55: {  	_ =	shalt  }
0x56: {  	_ =	shalt  }
0x57: {  	_ =	shalt  }
0x58: {  	_ =	shalt  }
0x59: {  	_ =	shalt  }
0x5a: {  	_ =	shalt  }
0x5b: {  	_ =	shalt  }
0x5c: {  	_ =	shalt  }
0x5d: {  	_ =	shalt  }
0x5e: {  	_ =	shalt  }
0x5f: {  	_ =	shalt  }
0x60: {  	_ =	shalt  }
0x61: {  	_ =	shalt  }
0x62: {  	_ =	shalt  }
0x63: {  	_ =	shalt  }
0x64: {  	_ =	shalt  }
0x65: {  	_ =	shalt  }
0x66: {  	_ =	shalt  }
0x67: {  	_ =	shalt  }
0x68: {  	_ =	shalt  }
0x69: {  	_ =	shalt  }
0x6a: {  	_ =	shalt  }
0x6b: {  	_ =	shalt  }
0x6c: {  	_ =	shalt  }
0x6d: {  	_ =	shalt  }
0x6e: {  	_ =	shalt  }
0x6f: {  	_ =	shalt  }
0x70: {  	_ =	shalt  }
0x71: {  	_ =	shalt  }
0x72: {  	_ =	shalt  }
0x73: {  	_ =	shalt  }
0x74: {  	_ =	shalt  }
0x75: {  	_ =	shalt  }
0x76: {  	_ =	shalt  }
0x77: {  	_ =	shalt  }
0x78: {  	_ =	shalt  }
0x79: {  	_ =	shalt  }
0x7a: {  	_ =	shalt  }
0x7b: {  	_ =	shalt  }
0x7c: {  	_ =	shalt  }
0x7d: {  	_ =	shalt  }
0x7e: {  	_ =	shalt  }
0x7f: {  	_ =	shalt  }
0x80: {  	_ =	shalt  }
0x81: {  	_ =	shalt  }
0x82: {  	_ =	shalt  }
0x83: {  	_ =	shalt  }
0x84: {  	_ =	shalt  }
0x85: {  	_ =	shalt  }
0x86: {  	_ =	shalt  }
0x87: {  	_ =	shalt  }
.Lfunc_end0:
.L_simem_size_0:
called_computation_lowered:
.L_overlay_start_0:
0x88: {  	s2 =	sld [smem:$0x3FD9]  }
0x89: {  	s3 =	sld [smem:$0x3FFE];
	_ =	sdelay $0x1  }
0x8a: {  	s1 =	srdreg.scid  }
0x8b: {  	s0 =	sand.u32 $0x1, s1  }
0x8c: {  	s17 =	sshll.u32 s0, $0xA;
	s2 =	sadd.s32 s3, s2  }
0x8d: {  	s2 =	sadd.s32 s2, s17  }
0x8e: {  	[smem:$0x3FC4] =	sst s2  }
0x8f: {  	_ = 	snop  }
0x90: {  	s2 =	sld [smem:$0x3FD0];
	(tm) =	ssettm $0x1  }
0x91: {  	s18 =	sld [smem:$0x3FFB];
	_ =	sdelay $0x3  }
0x92: {  	_ =	strace s18  }
0x93: {  	s3 =	sld [smem:$0x3FFC];
	_ =	sdelay $0x3  }
0x94: {  	_ =	strace s3  }
0x95: {  	s3 =	sld [smem:$0x3FFD];
	_ =	sdelay $0x3  }
0x96: {  	_ =	strace s3  }
0x97: {  	_ =	strace $0x8FFFFFFF  }
0x98: {  	s19 =	sld [smem:$0x3FDB];
	_ =	sdelay $0x1  }
0x99: {  	s4 =	simm.s32 $_scs_section_size  }
0x9a: {  	s5 =	simm.s32 $_size__tile_overlayer_lowered;
	s6 =	simm.s32 $_tile_overlayer_lowered  }
0x9b: {  	s22 =	simm.s32 $0x1BFF;
	s21 =	sshll.u32 s6, $0x1;
	s3 =	sadd.s32 s4, s19  }
0x9c: {  	s7 =	simm.s32 $0x0;
	s20 =	sshll.u32 s5, $0x1;
	s5 =	sadd.s32 s21, s3  }
0x9d: {  	[timem:s7], [sflag:s22] =	dma.local [hbm:s5], s20  }
0x9e: {  	_ =	swait.ge [sflag:s22], s20  }
0x9f: {  	s4 =	ssub.s32 $0x0, s20;
	[sflag:s22] =	ssyncset.done $0x0  }
0xa0: {  	[sflag:s22] =	ssyncadd.s32 s4;
	_ =	sdelay $0x1  }
0xa1: {  	s23 =	simm.s32 $0x1B8B  }
0xa2: {  	_ =	swait.ge [sflag:s23], $0x1  }
0xa3: {  	[sflag:s23] =	ssyncset.done $0x0  }
0xa4: {  	s25 =	simm.s32 $0x1B8E;
	s24 =	sld [smem:$0x3FFE];
	[sflag:s23] =	ssyncadd.s32 $0xFFFFFFFF  }
0xa5: {  	s26 =	simm.s32 $execute0_lowered;
	[smem:$0x3FD2] =	sst s25  }
0xa6: {  	s5 =	sshll.u32 s26, $0x1;
	_ =	strace $0x80000046;
	[dreg:$0x1] =	wrdreg $0xFFFFFFFF  }
0xa7: {  	s28 =	simm.s32 $_size_execute0_lowered;
	s3 =	sadd.s32 s3, s5;
	[dreg:$0x0] =	wrdreg $0x0  }
0xa8: {  	s5 =	sshll.u32 s28, $0x1;
	[dreg:$0x2] =	wrdreg s3  }
0xa9: {  	[dreg:$0x3] =	wrdreg s5  }
0xaa: {  	[dreg:$0x4] =	wrdreg $0xC0  }
0xab: {  	_ =	task [dreg:s7], $0x5FFFF  }
0xac: {  	[dreg:$0x1] =	wrdreg $0xFFFFFFFF  }
0xad: {  	[dreg:$0x0] =	wrdreg $0x60  }
0xae: {  	[dreg:$0x2] =	wrdreg s2  }
0xaf: {  	[dreg:$0x3] =	wrdreg s24  }
0xb0: {  	[dreg:$0x4] =	wrdreg $0x90000  }
0xb1: {  	[dreg:$0x5] =	wrdreg $0x9  }
0xb2: {  	_ =	task.clear_ibuf [dreg:s7], $0x6FFFF;
	_ =	strace $0x90000046  }
0xb3: {  	s29 =	simm.s32 $0x9;
	_ =	strace $0x80000048  }
0xb4: {  	_ =	swait.ge [sflag:s29], $0x1  }
0xb5: {  	[sflag:s29] =	ssyncadd.s32 $0xFFFFFFFF  }
0xb6: {  	_ =	strace $0x90000048  }
0xb7: {  	_ =	sfence  }
0xb8: {  	s30 =	sld [smem:$0x0];
	_ =	sdelay $0x2  }
0xb9: {  	s31 =	sshll.u32 s1, $0xD;
	s1 =	sshrl.u32 s1, $0x2  }
0xba: {  	s3 =	sand.u32 $0x4000, s31;
	s1 =	sadd.s32 s1, s30  }
0xbb: {  	s0 =	sor.u32 s3, s0;
	s1 =	sshll.u32 s1, $0x11  }
0xbc: {  	s0 =	sor.u32 s1, s0  }
0xbd: {  	s0 =	sadd.s32 $0x8F2B, s0  }
0xbe: {  	[sflag:s0] =	ssyncadd.remote.s32 $0x1  }
0xbf: {  	_ =	sfence.sel $0xFFFF  }
0xc0: {  	[dreg:$0x0] =	wrdreg $0xFFFFFFFF;
	(pc) =	sbr.abs _section_cstart, $3  }
0xc1: {  	[dreg:$0x1] =	wrdreg $0xFFFFFFFF  }
0xc2: {  	_ =	task.clear_ibuf [dreg:s7], $0x2FFFF;
	_ =	strace $0x9FFFFFFF  }
0xc3: {  	(tm) =	ssettm $0x7FFFFFFF  }
tec
execute0_lowered:
.L_overlay_start_1:
0x0: {  	(tag) =	ssettag $0x1  }
0x1: {  	s5 =	rddreg [dreg:$0x0]  }
0x2: {  	s6 =	rddreg [dreg:$0x1]  }
0x3: {  	s2 =	rddreg [dreg:$0x2]  }
0x4: {  	s0 =	rddreg [dreg:$0x3]  }
0x5: {  	s1 =	stileid.u32;
	s4 =	srdreg.scid  }
0x6: {  	s3 =	simm.s32 $0x0;
	s16 =	simm.s32 $0x80;
	s17 =	simm.s32 $0x0  }
0x7: {  	s7 =	smul.u32 $0x13C00, s1;
	s8 =	sand.u32 $0x1, s4;
	[smem:$0x7FF] =	sst s3  }
0x8: {  	s10 =	sshll.u32 s1, $0x1;
	s4 =	sadd.s32 $0x15A00, s6;
	s28 =	smul.u32 $0x4F000, s1  }
0x9: {  	s31 =	sshll.u32 s1, $0x6;
	s9 =	smul.u32 $0x13C000, s8;
	_ =	strace $0x80000047  }
0xa: {  	s10 =	sor.u32 s8, s10;
	s8 =	ssub.s32 $0x2, s8;
	s11 =	sshrl.u32 s7, $0x3  }
0xb: {  	s26 =	smul.u32 $0x500, s10;
	s29 =	sshrl.u32 s8, $0x1;
	s30 =	sshrl.u32 s28, $0x2  }
0xc: {  	s7 =	sadd.s32 s7, s9;
	s11 =	sadd.s32 s11, s6;
	s14 =	ssub.s32 s8, s29  }
0xd: {  	s15 =	sadd.s32 s30, s2;
	s7 =	sshrl.u32 s7, $0x3;
	s13 =	sadd.s32 s26, s6  }
0xe: {  	s5 =	sadd.s32 s5, s26;
	s10 =	smax.u32 s14, $0x1;
	s14 =	sor.u32 $0x1C01, s31  }
0xf: {  	s15 =	sshrl.u32 s15, $0x3;
	s12 =	sadd.s32 s7, s6;
	s6 =	sadd.s32 $0xBA00, s13  }
0x10: {  	s7 =	sadd.s32 $0x16200, s11;
	s8 =	sadd.s32 $0x8CA00, s13;
	s11 =	simm.s32 $0x1  }
0x11: {  	s13 =	simm.s32 $0x5000;
	s9 =	sadd.s32 $0x3DA00, s12;
	s12 =	simm.s32 $0x2800  }
.LBB2_1:
0x12: {  	[tilespmem:s3], [sflag:$0x1] =	stream.linear.gather [hbm4b:s5+s3], $0x2780, $0x38;
	[tilespmem:$0x1CC00] =	vst v63  }
0x13: {  	_ =	swait.ge [sflag:s11], $0x2780  }
0x14: {  	[sflag:s11] =	ssyncset.done $0x0  }
0x15: {  	[sflag:s11] =	ssyncadd.s32 $0xFFFFD880  }
0x16: {  	[tilespmem:s12], [sflag:$0x1] =	stream.linear.gather [hbm4b:s6+s3], $0x2780, $0x38;
	[tilespmem:$0x1CC00] =	vst v63  }
0x17: {  	_ =	swait.ge [sflag:s11], $0x2780  }
0x18: {  	[sflag:s11] =	ssyncset.done $0x0  }
0x19: {  	[sflag:s11] =	ssyncadd.s32 $0xFFFFD880  }
0x1a: {  	[tilespmem:s13], [sflag:$0x1] =	stream.linear.gather [hbm4b:s4+s3], $0x4000, $0x38;
	[tilespmem:$0x1CC00] =	vst v63  }
0x1b: {  	_ =	swait.ge [sflag:s11], $0x4000  }
0x1c: {  	[sflag:s11] =	ssyncset.done $0x0  }
0x1d: {  	[sflag:s11] =	ssyncadd.s32 $0xFFFFC000  }
0x1e: {  	[spmem:s15], [sflag:s14] =	dma.local [hbm:s7], $0x2780  }
0x1f: {  	_ =	swait.ge [sflag:s11], $0x2780  }
0x20: {  	[sflag:s11] =	ssyncset.done $0x0  }
0x21: {  	s18 =	simm.s32 $0x0;
	[sflag:s11] =	ssyncadd.s32 $0xFFFFD880  }
0x22: {  	v6 =	vld [tilespmem:s18+$0x0]  }
0x23: {  	v13 =	vld [tilespmem:s18+$0x10]  }
0x24: {  	v5 =	vld [tilespmem:s18+$0x20]  }
0x25: {  	v4 =	vld [tilespmem:s18+$0x30]  }
0x26: {  	v3 =	vld [tilespmem:s18+$0x40]  }
0x27: {  	v2 =	vld [tilespmem:s18+$0x50]  }
0x28: {  	v1 =	vld [tilespmem:s18+$0x60]  }
0x29: {  	v0 =	vld [tilespmem:s18+$0x70]  }
0x2a: {  	v12 =	vld [tilespmem:s18+$0x2800]  }
0x2b: {  	v11 =	vld [tilespmem:s18+$0x2810]  }
0x2c: {  	v10 =	vld [tilespmem:s18+$0x2820]  }
0x2d: {  	v9 =	vld [tilespmem:s18+$0x2830]  }
0x2e: {  	v8 =	vld [tilespmem:s18+$0x2840]  }
0x2f: {  	v7 =	vld [tilespmem:s18+$0x2850];
	vm0 =	veq.s32 v6, v12  }
0x30: {  	s19 =	simm.s32 $0x200;
	v6 =	vld [tilespmem:s18+$0x2860];
	v12 =	vsel vm0, $0x2710, v12;
	vm0 =	veq.s32 v13, v11  }
.LBB2_2:
0x31: {  	s20 =	sshra.s32 s19, $0x2;
	p0 =	sne.s32 s19, $0x9C00;
	[tilespmem:s18+$0x2800] =	vst v12;
	v11 =	vsel vm0, $0x2710, v11;
	vm0 =	veq.s32 v5, v10;
	v12 =	vld [tilespmem:s18+$0x2870]  }
0x32: {  	v13 =	vld [tilespmem:s20+$0x0];
	[tilespmem:s18+$0x2810] =	vst v11;
	v5 =	vsel vm0, $0x2710, v10;
	vm0 =	veq.s32 v4, v9  }
0x33: {  	v14 =	vld [tilespmem:s20+$0x10];
	[tilespmem:s18+$0x2820] =	vst v5;
	v4 =	vsel vm0, $0x2710, v9;
	vm0 =	veq.s32 v3, v8  }
0x34: {  	v5 =	vld [tilespmem:s20+$0x20];
	[tilespmem:s18+$0x2830] =	vst v4;
	v3 =	vsel vm0, $0x2710, v8;
	vm0 =	veq.s32 v2, v7  }
0x35: {  	v4 =	vld [tilespmem:s20+$0x30];
	[tilespmem:s18+$0x2840] =	vst v3;
	v2 =	vsel vm0, $0x2710, v7;
	vm0 =	veq.s32 v1, v6  }
0x36: {  	v3 =	vld [tilespmem:s20+$0x40];
	[tilespmem:s18+$0x2850] =	vst v2;
	v1 =	vsel vm0, $0x2710, v6;
	vm0 =	veq.s32 v0, v12  }
0x37: {  	v2 =	vld [tilespmem:s20+$0x50];
	[tilespmem:s18+$0x2860] =	vst v1;
	v0 =	vsel vm0, $0x2710, v12  }
0x38: {  	v1 =	vld [tilespmem:s20+$0x60];
	[tilespmem:s18+$0x2870] =	vst v0;
	s18 =	smov.u32 s20  }
0x39: {  	v0 =	vld [tilespmem:s18+$0x70]  }
0x3a: {  	v6 =	vld [tilespmem:s18+$0x2800]  }
0x3b: {  	v11 =	vld [tilespmem:s18+$0x2810]  }
.Ltmp0:
0x3c: {  	v10 =	vld [tilespmem:s18+$0x2820];
	(pc) =	sbr.rel @p0 .LBB2_2-.Ltmp0, $4  }
0x3d: {  	v9 =	vld [tilespmem:s18+$0x2830]  }
0x3e: {  	v8 =	vld [tilespmem:s18+$0x2840]  }
0x3f: {  	vm0 =	veq.s32 v13, v6;
	v7 =	vld [tilespmem:s18+$0x2850]  }
0x40: {  	s19 =	sadd.s32 $0x200, s19;
	v12 =	vsel vm0, $0x2710, v6;
	vm0 =	veq.s32 v14, v11;
	v6 =	vld [tilespmem:s18+$0x2860]  }
0x41: {  	[tilespmem:s18+$0x2800] =	vst v12;
	v11 =	vsel vm0, $0x2710, v11;
	vm10 =	veq.s32 v5, v10;
	v63 =	vld [tilespmem:s18+$0x2870]  }
0x42: {  	[tilespmem:s18+$0x2810] =	vst v11;
	v10 =	vsel vm10, $0x2710, v10;
	vm11 =	veq.s32 v4, v9  }
0x43: {  	[tilespmem:s18+$0x2820] =	vst v10;
	v4 =	vsel vm11, $0x2710, v9;
	vm12 =	veq.s32 v3, v8  }
0x44: {  	[tilespmem:s18+$0x2830] =	vst v4;
	v3 =	vsel vm12, $0x2710, v8;
	vm13 =	veq.s32 v2, v7  }
0x45: {  	[tilespmem:s18+$0x2840] =	vst v3;
	v2 =	vsel vm13, $0x2710, v7;
	vm14 =	veq.s32 v1, v6  }
0x46: {  	[tilespmem:s18+$0x2850] =	vst v2;
	v1 =	vsel vm14, $0x2710, v6;
	vm15 =	veq.s32 v0, v63  }
0x47: {  	[tilespmem:s18+$0x2860] =	vst v1;
	v0 =	vsel vm15, $0x2710, v63  }
0x48: {  	[tilespmem:s18+$0x2870] =	vst v0  }
0x49: {  	s31 =	simm.s32 $0x2800;
	[bflag:$0x0] =	sbarrier.arrive $0xFFFF  }
0x4a: {  	[spmem:s2] =	stream.indirect.scatter.add.f32 [tilespmem:s13], [sflag:$0x1], $0x80, s31, s16, $0xb8;
	[tilespmem:$0x1CC00] =	vst v63  }
0x4b: {  	s18 =	simm.s32 $0x200;
	_ =	swait.ge [sflag:s11], $0x4000  }
.LBB2_4:
0x4c: {  	s19 =	sshra.s32 s18, $0x2;
	[sflag:s11] =	ssyncset.done $0x0;
	p0 =	sne.s32 s18, $0x9C00  }
.Ltmp1:
0x4d: {  	s19 =	sadd.s32 $0x2800, s19;
	[sflag:s11] =	ssyncadd.s32 $0xFFFFC000;
	(pc) =	sbr.rel @p0 .LBB2_4-.Ltmp1, $3  }
0x4e: {  	[spmem:s2] =	stream.indirect.scatter.add.f32 [tilespmem:s13], [sflag:$0x1], $0x80, s19, s16, $0xb8;
	[tilespmem:$0x1CC00] =	vst v63  }
0x4f: {  	s18 =	sadd.s32 $0x200, s18;
	_ =	sdelay $0x1  }
0x50: {  	_ =	swait.ge [sflag:s11], $0x4000  }
0x51: {  	[sflag:s11] =	ssyncset.done $0x0  }
0x52: {  	[sflag:s11] =	ssyncadd.s32 $0xFFFFC000  }
0x53: {  	[bflag:$0x0] =	sbarrier.arrive $0xFFFF  }
0x54: {  	[hbm4b:s8+s3] =	stream.linear.scatter [tilespmem:s12], [sflag:$0x1], $0x2780, $0x38;
	[tilespmem:$0x1CC00] =	vst v63  }
0x55: {  	s17 =	sadd.s32 $0x1, s17;
	_ =	swait.ge [sflag:s11], $0x2780  }
0x56: {  	p0 =	sne.s32 s17, s10;
	[sflag:s11] =	ssyncset.done $0x0  }
.Ltmp2:
0x57: {  	[sflag:s11] =	ssyncadd.s32 $0xFFFFD880;
	(pc) =	sbr.rel @p0 .LBB2_1-.Ltmp2, $4  }
0x58: {  	[hbm:s9], [sflag:s14] =	dma.local [spmem:s15], $0x2780  }
0x59: {  	_ =	swait.ge [sflag:s11], $0x2780  }
0x5a: {  	[sflag:s11] =	ssyncset.done $0x0  }
0x5b: {  	[sflag:s11] =	ssyncadd.s32 $0xFFFFD880  }
0x5c: {  	_ =	sfence.sel $0x180000  }
0x5d: {  	[bflag:$0x0] =	sbarrier.arrive $0xFFFF  }
0x5e: {  	p0 =	sne.s32 s1, $0x0;
	_ =	strace $0x90000047  }
0x5f: {  	s0 =	sadd.s32 @!p0 $0x100000, s0;
	[bflag:$0x2] =	sbarrier.arrive $0xFFFF  }
0x60: {  	[sflag:s0] =	ssyncadd.tile.s32 @!p0 $0x1;
	_ =	shalt  }
.Lfunc_end2:
_tile_overlayer_lowered:
.L_overlay_start_2:
0x61: {  	(tag) =	ssettag $0x2  }
0x62: {  	s0 =	rddreg [dreg:$0x0];
	s2 =	stileid.u32  }
0x63: {  	s1 =	rddreg [dreg:$0x1];
	p0 =	sne.s32 s2, $0x0  }
0x64: {  	s3 =	rddreg [dreg:$0x2];
	[bflag:$0x3] =	sbarrier.arrive $0xFFFF;
	s2 =	simm.s32 @!p0 $0x1C01  }
0x65: {  	[timem:s3], [sflag:s2] =	dma.local @!p0 [hbm:s0], s1  }
0x66: {  	s0 =	simm.s32 @!p0 $0x1  }
0x67: {  	_ =	swait.ge @!p0 [sflag:s0], s1  }
0x68: {  	s1 =	ssub.s32 @!p0 $0x0, s1;
	[sflag:s0] =	ssyncset.done @!p0 $0x0  }
0x69: {  	[sflag:s0] =	ssyncadd.s32 @!p0 s1  }
0x6a: {  	[bflag:$0x3] =	sbarrier.arrive $0xFFFF  }
0x6b: {  	_ =	shalt  }

// kernel: kernel.9.cloned.1.call-start
scs
__scs_entry_jumppad:
0x0: {  	(pc) =	sbr.rel $0x88, $3  }
0x1: {  	(tag) =	ssettag $0x0;
	lr =	simm.s32 $0x1  }
0x2: {  	[smem:$0x3F9D] =	sst lr;
	_ =	strace $0xD0000000  }
0x3: {  	_ = 	snop  }
0x4: {  	_ = 	snop  }
0x5: {  	_ = 	snop  }
0x6: {  	_ = 	snop  }
0x7: {  	_ = 	snop  }
__scs_overlays_trampoline_lowered:
0x8: {  	[smem:$0x3FAC] =	sst s0  }
0x9: {  	[smem:$0x3FAD] =	sst s1  }
0xa: {  	[smem:$0x3FAE] =	sst s2  }
0xb: {  	[smem:$0x3FAF] =	sst s3  }
0xc: {  	[smem:$0x3FB0] =	sst s4  }
0xd: {  	[smem:$0x3FB1] =	sst s5  }
0xe: {  	[smem:$0x3FB2] =	sst s6  }
0xf: {  	[smem:$0x3FB3] =	sst s7  }
0x10: {  	[smem:$0x3FB4] =	sst s8  }
0x11: {  	[smem:$0x3FB5] =	sst s9;
	s0 =	simm.s32 @!p0 $0x0  }
0x12: {  	s1 =	sld [smem:$0x3F9B];
	s0 =	simm.s32 @p0 $0x1  }
0x13: {  	[smem:$0x3FB6] =	sst s0;
	s0 =	simm.s32 @!p1 $0x0  }
0x14: {  	s2 =	sld [smem:$0x3F9A];
	s0 =	simm.s32 @p1 $0x1  }
0x15: {  	[smem:$0x3FB7] =	sst s0;
	s0 =	simm.s32 @!p2 $0x0  }
0x16: {  	s3 =	sld [smem:$0x3FDB];
	s0 =	simm.s32 @p2 $0x1  }
0x17: {  	s4 =	simm.s32 $0x1BF5;
	[smem:$0x3FB9] =	sst s0  }
0x18: {  	s0 =	sld [smem:$0x3F9C];
	_ =	swait.ge [sflag:s4], $0x0  }
0x19: {  	s7 =	sld [smem:$0x3F9D]  }
0x1a: {  	s8 =	sadd.s32 $0xFFFFE003, lr  }
0x1b: {  	s9 =	sadd.s32 $0xFFFFFEF7, lr;
	s5 =	simm.s32 $0xFFFFFFFF;
	p2 =	slt.u32 s8, $0xFFFFF086  }
0x1c: {  	p1 =	slt.u32 s9, $0xF7A;
	s5 =	simm.s32 @!p2 $0x0  }
0x1d: {  	s5 =	simm.s32 @p1 $0x1;
	p0 =	seq.s32 s7, s2  }
0x1e: {  	s7 =	smul.u32 @!p0 $0xF7A, s2;
	p2 =	seq.s32 @!p0 s5, $0x0  }
0x1f: {  	s9 =	smul.u32 $0xF7A, s1;
	s8 =	simm.s32 @!p0 $0x1BF5;
	p2 =	por !p2, p0  }
0x20: {  	[sflag:s8] =	ssyncset.s32 @!p0 $0xFFFFF086;
	s6 =	sadd.s32 @!p0 s3, s7;
	s7 =	simm.s32 @!p0 $0x108  }
0x21: {  	s3 =	sadd.s32 s3, s9;
	s6 =	sadd.s32 @!p0 $0x88, s6;
	s7 =	simm.s32 @p2 $0x1082  }
0x22: {  	[simem:s7], [sflag:s8] =	dma.local @!p0 [hbm:s6], $0xF7A  }
0x23: {  	s9 =	sor.u32 $0xD0000000, s2;
	s6 =	simm.s32 $0x108;
	_ =	swait.ge @!p0 [sflag:s8], $0x0  }
0x24: {  	s3 =	sadd.s32 $0x88, s3;
	s6 =	simm.s32 @!p1 $0x1082;
	[sflag:s4] =	ssyncset.s32 $0xFFFFF086  }
0x25: {  	[simem:s6], [sflag:s4] =	dma.local [hbm:s3], $0xF7A  }
0x26: {  	[smem:$0x3F9D] =	sst s1;
	(tag) =	ssettag s2;
	_ =	strace s9  }
0x27: {  	s1 =	sld [smem:$0x3FAD]  }
0x28: {  	s2 =	sld [smem:$0x3FAE]  }
0x29: {  	s4 =	sld [smem:$0x3FB0]  }
0x2a: {  	p0 =	seq.s32 s5, $0x0;
	s5 =	sld [smem:$0x3FB1]  }
0x2b: {  	s6 =	sld [smem:$0x3FB2]  }
0x2c: {  	s7 =	sld [smem:$0x3FB3]  }
0x2d: {  	s3 =	simm.s32 $0x108;
	s8 =	sld [smem:$0x3FB4]  }
0x2e: {  	s3 =	simm.s32 @!p0 $0x1082;
	s9 =	sld [smem:$0x3FB5]  }
0x2f: {  	lr =	sadd.s32 s0, s3;
	s0 =	sld [smem:$0x3FAC]  }
0x30: {  	s3 =	sld [smem:$0x3FAF]  }
0x31: {  	[smem:$0x3FB8] =	sst s10  }
0x32: {  	s10 =	sld [smem:$0x3FB6];
	_ =	sdelay $0x3  }
0x33: {  	p0 =	seq.s32 s10, $0x1;
	s10 =	sld [smem:$0x3FB8];
	_ =	sdelay $0x3  }
0x34: {  	[smem:$0x3FB8] =	sst s10  }
0x35: {  	s10 =	sld [smem:$0x3FB7];
	_ =	sdelay $0x3  }
0x36: {  	p1 =	seq.s32 s10, $0x1;
	s10 =	sld [smem:$0x3FB8];
	_ =	sdelay $0x3  }
0x37: {  	[smem:$0x3FB8] =	sst s10  }
0x38: {  	s10 =	sld [smem:$0x3FB9]  }
0x39: {  	_ = 	snop;
	(pc) =	sbr.ind lr, $3  }
0x3a: {  	_ = 	snop  }
0x3b: {  	_ = 	snop  }
0x3c: {  	p2 =	seq.s32 s10, $0x1;
	s10 =	sld [smem:$0x3FB8]  }
0x3d: {  	_ =	shalt  }
0x3e: {  	_ =	shalt  }
0x3f: {  	_ =	shalt  }
0x40: {  	_ =	shalt  }
0x41: {  	_ =	shalt  }
0x42: {  	_ =	shalt  }
0x43: {  	_ =	shalt  }
0x44: {  	_ =	shalt  }
0x45: {  	_ =	shalt  }
0x46: {  	_ =	shalt  }
0x47: {  	_ =	shalt  }
0x48: {  	_ =	shalt  }
0x49: {  	_ =	shalt  }
0x4a: {  	_ =	shalt  }
0x4b: {  	_ =	shalt  }
0x4c: {  	_ =	shalt  }
0x4d: {  	_ =	shalt  }
0x4e: {  	_ =	shalt  }
0x4f: {  	_ =	shalt  }
0x50: {  	_ =	shalt  }
0x51: {  	_ =	shalt  }
0x52: {  	_ =	shalt  }
0x53: {  	_ =	shalt  }
0x54: {  	_ =	shalt  }
0x55: {  	_ =	shalt  }
0x56: {  	_ =	shalt  }
0x57: {  	_ =	shalt  }
0x58: {  	_ =	shalt  }
0x59: {  	_ =	shalt  }
0x5a: {  	_ =	shalt  }
0x5b: {  	_ =	shalt  }
0x5c: {  	_ =	shalt  }
0x5d: {  	_ =	shalt  }
0x5e: {  	_ =	shalt  }
0x5f: {  	_ =	shalt  }
0x60: {  	_ =	shalt  }
0x61: {  	_ =	shalt  }
0x62: {  	_ =	shalt  }
0x63: {  	_ =	shalt  }
0x64: {  	_ =	shalt  }
0x65: {  	_ =	shalt  }
0x66: {  	_ =	shalt  }
0x67: {  	_ =	shalt  }
0x68: {  	_ =	shalt  }
0x69: {  	_ =	shalt  }
0x6a: {  	_ =	shalt  }
0x6b: {  	_ =	shalt  }
0x6c: {  	_ =	shalt  }
0x6d: {  	_ =	shalt  }
0x6e: {  	_ =	shalt  }
0x6f: {  	_ =	shalt  }
0x70: {  	_ =	shalt  }
0x71: {  	_ =	shalt  }
0x72: {  	_ =	shalt  }
0x73: {  	_ =	shalt  }
0x74: {  	_ =	shalt  }
0x75: {  	_ =	shalt  }
0x76: {  	_ =	shalt  }
0x77: {  	_ =	shalt  }
0x78: {  	_ =	shalt  }
0x79: {  	_ =	shalt  }
0x7a: {  	_ =	shalt  }
0x7b: {  	_ =	shalt  }
0x7c: {  	_ =	shalt  }
0x7d: {  	_ =	shalt  }
0x7e: {  	_ =	shalt  }
0x7f: {  	_ =	shalt  }
0x80: {  	_ =	shalt  }
0x81: {  	_ =	shalt  }
0x82: {  	_ =	shalt  }
0x83: {  	_ =	shalt  }
0x84: {  	_ =	shalt  }
0x85: {  	_ =	shalt  }
0x86: {  	_ =	shalt  }
0x87: {  	_ =	shalt  }
.Lfunc_end0:
.L_simem_size_0:
called_computation.1_lowered:
.L_overlay_start_0:
0x88: {  	s2 =	sld [smem:$0x3FD9]  }
0x89: {  	s3 =	sld [smem:$0x3FFE];
	_ =	sdelay $0x1  }
0x8a: {  	s1 =	srdreg.scid  }
0x8b: {  	s0 =	sand.u32 $0x1, s1  }
0x8c: {  	s17 =	sshll.u32 s0, $0xA;
	s2 =	sadd.s32 s3, s2  }
0x8d: {  	s2 =	sadd.s32 s2, s17  }
0x8e: {  	[smem:$0x3FC4] =	sst s2  }
0x8f: {  	_ = 	snop  }
0x90: {  	s2 =	sld [smem:$0x3FD0];
	(tm) =	ssettm $0x1  }
0x91: {  	s18 =	sld [smem:$0x3FFB];
	_ =	sdelay $0x3  }
0x92: {  	_ =	strace s18  }
0x93: {  	s3 =	sld [smem:$0x3FFC];
	_ =	sdelay $0x3  }
0x94: {  	_ =	strace s3  }
0x95: {  	s3 =	sld [smem:$0x3FFD];
	_ =	sdelay $0x3  }
0x96: {  	_ =	strace s3  }
0x97: {  	_ =	strace $0x8FFFFFFF  }
0x98: {  	s19 =	sld [smem:$0x3FDB];
	_ =	sdelay $0x1  }
0x99: {  	s4 =	simm.s32 $_scs_section_size  }
0x9a: {  	s5 =	simm.s32 $_size__tile_overlayer_lowered;
	s6 =	simm.s32 $_tile_overlayer_lowered  }
0x9b: {  	s22 =	simm.s32 $0x1BFF;
	s21 =	sshll.u32 s6, $0x1;
	s3 =	sadd.s32 s4, s19  }
0x9c: {  	s7 =	simm.s32 $0x0;
	s20 =	sshll.u32 s5, $0x1;
	s5 =	sadd.s32 s21, s3  }
0x9d: {  	[timem:s7], [sflag:s22] =	dma.local [hbm:s5], s20  }
0x9e: {  	_ =	swait.ge [sflag:s22], s20  }
0x9f: {  	s4 =	ssub.s32 $0x0, s20;
	[sflag:s22] =	ssyncset.done $0x0  }
0xa0: {  	[sflag:s22] =	ssyncadd.s32 s4;
	_ =	sdelay $0x1  }
0xa1: {  	s23 =	simm.s32 $0x1B8B  }
0xa2: {  	_ =	swait.ge [sflag:s23], $0x1  }
0xa3: {  	[sflag:s23] =	ssyncset.done $0x0  }
0xa4: {  	s25 =	simm.s32 $0x1B8E;
	s24 =	sld [smem:$0x3FFE];
	[sflag:s23] =	ssyncadd.s32 $0xFFFFFFFF  }
0xa5: {  	s26 =	simm.s32 $execute0_lowered;
	[smem:$0x3FD2] =	sst s25  }
0xa6: {  	s5 =	sshll.u32 s26, $0x1;
	_ =	strace $0x80000049;
	[dreg:$0x1] =	wrdreg $0xFFFFFFFF  }
0xa7: {  	s28 =	simm.s32 $_size_execute0_lowered;
	s3 =	sadd.s32 s3, s5;
	[dreg:$0x0] =	wrdreg $0x0  }
0xa8: {  	s5 =	sshll.u32 s28, $0x1;
	[dreg:$0x2] =	wrdreg s3  }
0xa9: {  	[dreg:$0x3] =	wrdreg s5  }
0xaa: {  	[dreg:$0x4] =	wrdreg $0xC0  }
0xab: {  	_ =	task [dreg:s7], $0x5FFFF  }
0xac: {  	[dreg:$0x1] =	wrdreg $0xFFFFFFFF  }
0xad: {  	[dreg:$0x0] =	wrdreg $0x60  }
0xae: {  	[dreg:$0x2] =	wrdreg s2  }
0xaf: {  	[dreg:$0x3] =	wrdreg s24  }
0xb0: {  	[dreg:$0x4] =	wrdreg $0xC0000  }
0xb1: {  	[dreg:$0x5] =	wrdreg $0x9  }
0xb2: {  	_ =	task.clear_ibuf [dreg:s7], $0x6FFFF;
	_ =	strace $0x90000049  }
0xb3: {  	s29 =	simm.s32 $0x9;
	_ =	strace $0x8000004B  }
0xb4: {  	_ =	swait.ge [sflag:s29], $0x1  }
0xb5: {  	[sflag:s29] =	ssyncadd.s32 $0xFFFFFFFF  }
0xb6: {  	_ =	strace $0x9000004B  }
0xb7: {  	_ =	sfence  }
0xb8: {  	s30 =	sld [smem:$0x0];
	_ =	sdelay $0x2  }
0xb9: {  	s31 =	sshll.u32 s1, $0xD;
	s1 =	sshrl.u32 s1, $0x2  }
0xba: {  	s3 =	sand.u32 $0x4000, s31;
	s1 =	sadd.s32 s1, s30  }
0xbb: {  	s0 =	sor.u32 s3, s0;
	s1 =	sshll.u32 s1, $0x11  }
0xbc: {  	s0 =	sor.u32 s1, s0  }
0xbd: {  	s0 =	sadd.s32 $0x8F2B, s0  }
0xbe: {  	[sflag:s0] =	ssyncadd.remote.s32 $0x1  }
0xbf: {  	_ =	sfence.sel $0xFFFF  }
0xc0: {  	[dreg:$0x0] =	wrdreg $0xFFFFFFFF;
	(pc) =	sbr.abs _section_cstart, $3  }
0xc1: {  	[dreg:$0x1] =	wrdreg $0xFFFFFFFF  }
0xc2: {  	_ =	task.clear_ibuf [dreg:s7], $0x2FFFF;
	_ =	strace $0x9FFFFFFF  }
0xc3: {  	(tm) =	ssettm $0x7FFFFFFF  }
tec
execute0_lowered:
.L_overlay_start_1:
0x0: {  	(tag) =	ssettag $0x1  }
0x1: {  	s1 =	rddreg [dreg:$0x0]  }
0x2: {  	s5 =	rddreg [dreg:$0x1]  }
0x3: {  	s3 =	rddreg [dreg:$0x2]  }
0x4: {  	s0 =	rddreg [dreg:$0x3];
	s4 =	simm.s32 $0x0  }
0x5: {  	s2 =	stileid.u32;
	s6 =	srdreg.scid;
	s16 =	simm.s32 $0x8000  }
0x6: {  	s17 =	simm.s32 $0x40;
	s18 =	simm.s32 $0xA000;
	s19 =	simm.s32 $0x1  }
0x7: {  	s20 =	simm.s32 $0x2;
	[smem:$0x7FF] =	sst s4;
	s7 =	smul.u32 $0x13C00, s2  }
0x8: {  	s8 =	sand.u32 $0x1, s6;
	s9 =	sadd.s32 $0x1C00, s5;
	s12 =	smul.u32 $0x4F000, s2  }
0x9: {  	s10 =	sadd.s32 $0xBA00, s5;
	s29 =	sshll.u32 s2, $0x6;
	s30 =	smul.u32 $0x1E0, s2  }
0xa: {  	s31 =	sshll.u32 s2, $0xB;
	_ =	strace $0x8000004A;
	s6 =	smul.u32 $0x13C000, s8  }
0xb: {  	s28 =	ssub.s32 $0x2, s8;
	p0 =	seq.s32 s8, $0x1;
	s8 =	sadd.s32 s10, s31  }
0xc: {  	s11 =	sshrl.u32 s7, $0x3;
	s13 =	sshrl.u32 s28, $0x1;
	s12 =	sshrl.u32 s12, $0x2  }
0xd: {  	s11 =	sadd.s32 s11, s5;
	s6 =	sadd.s32 s7, s6;
	s13 =	ssub.s32 s28, s13  }
.Ltmp0:
0xe: {  	s15 =	sadd.s32 s12, s3;
	s7 =	sadd.s32 s9, s31;
	(pc) =	sbr.rel .LBB2_1-.Ltmp0, $4  }
0xf: {  	s6 =	sshrl.u32 s6, $0x3;
	s12 =	smax.u32 s13, $0x1;
	s13 =	sshrl.u32 s15, $0x3  }
0x10: {  	s14 =	sadd.s32 s6, s5;
	s5 =	sadd.s32 $0x16200, s11;
	s11 =	sor.u32 $0x8000, s30  }
0x11: {  	s15 =	simm.s32 $0x4000;
	s6 =	sor.u32 $0x1C03, s29;
	s9 =	sadd.s32 s9, s11  }
0x12: {  	s10 =	sadd.s32 s10, s11;
	s11 =	sadd.s32 $0x3DA00, s14;
	s14 =	simm.s32 $0x3  }
.LBB2_7:
0x13: {  	[sflag:s14] =	ssyncadd.s32 $0xFFFFE000  }
.LBB2_8:
0x14: {  	_ =	swait.ge [sflag:s19], $0x2000  }
0x15: {  	s4 =	sadd.s32 $0x1, s4;
	[sflag:s19] =	ssyncset.done $0x0  }
0x16: {  	p1 =	sne.s32 s4, s12;
	[sflag:s19] =	ssyncadd.s32 $0xFFFFE000  }
.Ltmp1:
0x17: {  	[bflag:$0x0] =	sbarrier.arrive $0xFFFF;
	(pc) =	sbr.rel @!p1 .LBB2_9-.Ltmp1, $4  }
0x18: {  	[hbm:s11], [sflag:s6] =	dma.local [spmem:s13], $0x2780  }
0x19: {  	_ =	swait.ge [sflag:s14], $0x2780  }
0x1a: {  	[sflag:s14] =	ssyncset.done $0x0  }
0x1b: {  	[sflag:s14] =	ssyncadd.s32 $0xFFFFD880  }
.LBB2_1:
.Ltmp2:
0x1c: {  	(pc) =	sbr.rel @!p0 .LBB2_2-.Ltmp2, $4  }
0x1d: {  	[spmem:s13], [sflag:s6] =	dma.local [hbm:s5], $0x2780  }
0x1e: {  	_ =	swait.ge [sflag:s14], $0x2780  }
0x1f: {  	[sflag:s14] =	ssyncset.done $0x0  }
0x20: {  	s22 =	simm.s32 $0x0;
	[sflag:s14] =	ssyncadd.s32 $0xFFFFD880  }
0x21: {  	[tilespmem:s22], [sflag:$0x3] =	stream.linear.gather [hbm4b:s9+s22], $0xF00, $0x38;
	[tilespmem:$0x1FC00] =	vst v63  }
0x22: {  	_ =	swait.ge [sflag:s14], $0xF00  }
0x23: {  	[sflag:s14] =	ssyncset.done $0x0  }
0x24: {  	[sflag:s14] =	ssyncadd.s32 $0xFFFFF100  }
0x25: {  	[tilespmem:s15], [sflag:$0x3] =	stream.linear.gather [hbm4b:s10+s22], $0xF00, $0x38;
	[tilespmem:$0x1FC00] =	vst v63  }
0x26: {  	_ =	swait.ge [sflag:s14], $0xF00  }
0x27: {  	[sflag:s14] =	ssyncset.done $0x0  }
0x28: {  	[sflag:s14] =	ssyncadd.s32 $0xFFFFF100  }
0x29: {  	s21 =	simm.s32 $0x40;
	[bflag:$0x0] =	sbarrier.arrive $0xFFFF  }
0x2a: {  	[tilespmem:s16], [sflag:$0x1] =	stream.indirect.gather [hbm4b:s1+s21], $0x80, s22, s21, $0xb8;
	[tilespmem:$0x1FC00] =	vst v63  }
0x2b: {  	_ = 	snop  }
0x2c: {  	[tilespmem:s18], [sflag:$0x2] =	stream.indirect.gather [hbm4b:s1+s17], $0x80, s21, s17, $0xb8;
	[tilespmem:$0x1FC00] =	vst v63  }
0x2d: {  	_ =	swait.ge [sflag:s19], $0x2000  }
0x2e: {  	[sflag:s19] =	ssyncset.done $0x0  }
0x2f: {  	s23 =	simm.s32 $0x4000;
	[sflag:s19] =	ssyncadd.s32 $0xFFFFE000  }
0x30: {  	[spmem:s3] =	stream.indirect.scatter.add.f32 [tilespmem:s16], [sflag:$0x3], $0x80, s23, s17, $0xb8;
	[tilespmem:$0x1FC00] =	vst v63  }
0x31: {  	_ =	swait.ge [sflag:s14], $0x2000  }
0x32: {  	s31 =	smin.u32 s22, $0xE00;
	[sflag:s14] =	ssyncset.done $0x0  }
0x33: {  	s22 =	sadd.s32 $0x80, s31;
	[sflag:s14] =	ssyncadd.s32 $0xFFFFE000  }
0x34: {  	[tilespmem:s16], [sflag:$0x1] =	stream.indirect.gather [hbm4b:s1+s17], $0x80, s22, s17, $0xb8;
	[tilespmem:$0x1FC00] =	vst v63  }
0x35: {  	_ =	swait.ge [sflag:s20], $0x2000  }
0x36: {  	[sflag:s20] =	ssyncset.done $0x0  }
0x37: {  	s22 =	simm.s32 $0x4040;
	[sflag:s20] =	ssyncadd.s32 $0xFFFFE000  }
0x38: {  	[spmem:s3] =	stream.indirect.scatter.add.f32 [tilespmem:s18], [sflag:$0x3], $0x80, s22, s17, $0xb8;
	[tilespmem:$0x1FC00] =	vst v63  }
0x39: {  	_ =	swait.ge [sflag:s14], $0x2000  }
0x3a: {  	s23 =	simm.s32 $0x80;
	[sflag:s14] =	ssyncset.done $0x0  }
.LBB2_6:
0x3b: {  	[sflag:s14] =	ssyncadd.s32 $0xFFFFE000  }
0x3c: {  	s21 =	sadd.s32 $0x80, s21;
	s22 =	sadd.s32 $0x80, s22;
	s24 =	smov.u32 s23  }
0x3d: {  	[tilespmem:s18], [sflag:$0x2] =	stream.indirect.gather [hbm4b:s1+s17], $0x80, s21, s17, $0xb8;
	[tilespmem:$0x1FC00] =	vst v63  }
0x3e: {  	p1 =	sne.s32 s23, $0xE80;
	s23 =	sadd.s32 $0x80, s23;
	_ =	swait.ge [sflag:s19], $0x2000  }
0x3f: {  	[sflag:s19] =	ssyncset.done $0x0  }
0x40: {  	s25 =	sadd.s32 $0xFFFFFFC0, s22;
	[sflag:s19] =	ssyncadd.s32 $0xFFFFE000  }
0x41: {  	[spmem:s3] =	stream.indirect.scatter.add.f32 [tilespmem:s16], [sflag:$0x3], $0x80, s25, s17, $0xb8;
	[tilespmem:$0x1FC00] =	vst v63  }
0x42: {  	_ =	swait.ge [sflag:s14], $0x2000  }
0x43: {  	s24 =	smin.u32 s24, $0xE00;
	[sflag:s14] =	ssyncset.done $0x0  }
0x44: {  	s24 =	sadd.s32 $0x80, s24;
	[sflag:s14] =	ssyncadd.s32 $0xFFFFE000  }
0x45: {  	[tilespmem:s16], [sflag:$0x1] =	stream.indirect.gather [hbm4b:s1+s17], $0x80, s24, s17, $0xb8;
	[tilespmem:$0x1FC00] =	vst v63  }
0x46: {  	_ =	swait.ge [sflag:s20], $0x2000  }
.Ltmp3:
0x47: {  	[sflag:s20] =	ssyncset.done $0x0;
	(pc) =	sbr.rel @p1 .LBB2_6-.Ltmp3, $4  }
0x48: {  	[sflag:s20] =	ssyncadd.s32 $0xFFFFE000  }
0x49: {  	[spmem:s3] =	stream.indirect.scatter.add.f32 [tilespmem:s18], [sflag:$0x3], $0x80, s22, s17, $0xb8;
	[tilespmem:$0x1FC00] =	vst v63  }
0x4a: {  	_ =	swait.ge [sflag:s14], $0x2000  }
0x4b: {  	[sflag:s14] =	ssyncset.done $0x0  }
.Ltmp4:
0x4c: {  	_ = 	snop;
	(pc) =	sbr.rel .LBB2_7-.Ltmp4, $1  }
0x4d: {  	_ =	sdelay $0x3  }
.LBB2_2:
0x4e: {  	[tilespmem:s22], [sflag:$0x3] =	stream.linear.gather [hbm4b:s7+s22], $0x4000, $0x38;
	[tilespmem:$0x1FC00] =	vst v63  }
0x4f: {  	_ =	swait.ge [sflag:s14], $0x4000  }
0x50: {  	[sflag:s14] =	ssyncset.done $0x0  }
0x51: {  	[sflag:s14] =	ssyncadd.s32 $0xFFFFC000  }
0x52: {  	[tilespmem:s15], [sflag:$0x3] =	stream.linear.gather [hbm4b:s8+s22], $0x4000, $0x38;
	[tilespmem:$0x1FC00] =	vst v63  }
0x53: {  	_ =	swait.ge [sflag:s14], $0x4000  }
0x54: {  	[sflag:s14] =	ssyncset.done $0x0  }
0x55: {  	[sflag:s14] =	ssyncadd.s32 $0xFFFFC000  }
0x56: {  	s21 =	simm.s32 $0x40;
	[bflag:$0x0] =	sbarrier.arrive $0xFFFF  }
0x57: {  	[tilespmem:s16], [sflag:$0x1] =	stream.indirect.gather [hbm4b:s1+s21], $0x80, s22, s21, $0xb8;
	[tilespmem:$0x1FC00] =	vst v63  }
0x58: {  	_ = 	snop  }
0x59: {  	[tilespmem:s18], [sflag:$0x2] =	stream.indirect.gather [hbm4b:s1+s17], $0x80, s21, s17, $0xb8;
	[tilespmem:$0x1FC00] =	vst v63  }
0x5a: {  	_ =	swait.ge [sflag:s19], $0x2000  }
0x5b: {  	[sflag:s19] =	ssyncset.done $0x0  }
0x5c: {  	s23 =	simm.s32 $0x4000;
	[sflag:s19] =	ssyncadd.s32 $0xFFFFE000  }
0x5d: {  	[spmem:s3] =	stream.indirect.scatter.add.f32 [tilespmem:s16], [sflag:$0x3], $0x80, s23, s17, $0xb8;
	[tilespmem:$0x1FC00] =	vst v63  }
0x5e: {  	_ =	swait.ge [sflag:s14], $0x2000  }
0x5f: {  	s31 =	smin.u32 s22, $0x3F00;
	[sflag:s14] =	ssyncset.done $0x0  }
0x60: {  	s22 =	sadd.s32 $0x80, s31;
	[sflag:s14] =	ssyncadd.s32 $0xFFFFE000  }
0x61: {  	[tilespmem:s16], [sflag:$0x1] =	stream.indirect.gather [hbm4b:s1+s17], $0x80, s22, s17, $0xb8;
	[tilespmem:$0x1FC00] =	vst v63  }
0x62: {  	_ =	swait.ge [sflag:s20], $0x2000  }
0x63: {  	[sflag:s20] =	ssyncset.done $0x0  }
0x64: {  	s22 =	simm.s32 $0x4040;
	[sflag:s20] =	ssyncadd.s32 $0xFFFFE000  }
0x65: {  	[spmem:s3] =	stream.indirect.scatter.add.f32 [tilespmem:s18], [sflag:$0x3], $0x80, s22, s17, $0xb8;
	[tilespmem:$0x1FC00] =	vst v63  }
0x66: {  	_ =	swait.ge [sflag:s14], $0x2000  }
0x67: {  	s23 =	simm.s32 $0x80;
	[sflag:s14] =	ssyncset.done $0x0  }
.LBB2_3:
0x68: {  	[sflag:s14] =	ssyncadd.s32 $0xFFFFE000  }
0x69: {  	s21 =	sadd.s32 $0x80, s21;
	s22 =	sadd.s32 $0x80, s22;
	s24 =	smov.u32 s23  }
0x6a: {  	[tilespmem:s18], [sflag:$0x2] =	stream.indirect.gather [hbm4b:s1+s17], $0x80, s21, s17, $0xb8;
	[tilespmem:$0x1FC00] =	vst v63  }
0x6b: {  	p1 =	seq.s32 s23, $0x3F80;
	s23 =	sadd.s32 $0x80, s23;
	_ =	swait.ge [sflag:s19], $0x2000  }
0x6c: {  	[sflag:s19] =	ssyncset.done $0x0  }
0x6d: {  	s25 =	sadd.s32 $0xFFFFFFC0, s22;
	[sflag:s19] =	ssyncadd.s32 $0xFFFFE000  }
0x6e: {  	[spmem:s3] =	stream.indirect.scatter.add.f32 [tilespmem:s16], [sflag:$0x3], $0x80, s25, s17, $0xb8;
	[tilespmem:$0x1FC00] =	vst v63  }
0x6f: {  	_ =	swait.ge [sflag:s14], $0x2000  }
0x70: {  	s24 =	smin.u32 s24, $0x3F00;
	[sflag:s14] =	ssyncset.done $0x0  }
0x71: {  	s24 =	sadd.s32 $0x80, s24;
	[sflag:s14] =	ssyncadd.s32 $0xFFFFE000  }
0x72: {  	[tilespmem:s16], [sflag:$0x1] =	stream.indirect.gather [hbm4b:s1+s17], $0x80, s24, s17, $0xb8;
	[tilespmem:$0x1FC00] =	vst v63  }
0x73: {  	_ =	swait.ge [sflag:s20], $0x2000  }
.Ltmp5:
0x74: {  	[sflag:s20] =	ssyncset.done $0x0;
	(pc) =	sbr.rel @!p1 .LBB2_3-.Ltmp5, $4  }
0x75: {  	[sflag:s20] =	ssyncadd.s32 $0xFFFFE000  }
0x76: {  	[spmem:s3] =	stream.indirect.scatter.add.f32 [tilespmem:s18], [sflag:$0x3], $0x80, s22, s17, $0xb8;
	[tilespmem:$0x1FC00] =	vst v63  }
0x77: {  	_ =	swait.ge [sflag:s14], $0x2000  }
0x78: {  	[sflag:s14] =	ssyncset.done $0x0  }
.Ltmp6:
0x79: {  	(pc) =	sbr.rel .LBB2_8-.Ltmp6, $2  }
0x7a: {  	_ =	sdelay $0x2  }
0x7b: {  	[sflag:s14] =	ssyncadd.s32 $0xFFFFE000  }
.LBB2_9:
0x7c: {  	_ =	sfence.sel $0x180000  }
0x7d: {  	[bflag:$0x0] =	sbarrier.arrive $0xFFFF  }
0x7e: {  	p0 =	sne.s32 s2, $0x0;
	_ =	strace $0x9000004A  }
0x7f: {  	s0 =	sadd.s32 @!p0 $0x100000, s0;
	[bflag:$0x2] =	sbarrier.arrive $0xFFFF  }
0x80: {  	[sflag:s0] =	ssyncadd.tile.s32 @!p0 $0x1;
	_ =	shalt  }
.Lfunc_end2:
_tile_overlayer_lowered:
.L_overlay_start_2:
0x81: {  	(tag) =	ssettag $0x2  }
0x82: {  	s0 =	rddreg [dreg:$0x0];
	s2 =	stileid.u32  }
0x83: {  	s1 =	rddreg [dreg:$0x1];
	p0 =	sne.s32 s2, $0x0  }
0x84: {  	s3 =	rddreg [dreg:$0x2];
	[bflag:$0x3] =	sbarrier.arrive $0xFFFF;
	s2 =	simm.s32 @!p0 $0x1C03  }
0x85: {  	[timem:s3], [sflag:s2] =	dma.local @!p0 [hbm:s0], s1  }
0x86: {  	s0 =	simm.s32 @!p0 $0x3  }
0x87: {  	_ =	swait.ge @!p0 [sflag:s0], s1  }
0x88: {  	s1 =	ssub.s32 @!p0 $0x0, s1;
	[sflag:s0] =	ssyncset.done @!p0 $0x0  }
0x89: {  	[sflag:s0] =	ssyncadd.s32 @!p0 s1  }
0x8a: {  	[bflag:$0x3] =	sbarrier.arrive $0xFFFF  }
0x8b: {  	_ =	shalt  }

</sc_bundles>
